<compile_context>
chip_gen: v7x
topology: tpu7x:2x2x1
jax: 0.10.2.dev20260603
libtpu: 0.0.44.dev20260713+nightly
codegen_flags: <defaults>
</compile_context>

<pallas_src>
import dataclasses

import jax
import jax.numpy as jnp
from jax import lax
from jax.experimental import pallas as pl
from jax.experimental.pallas import tpu as pltpu
from jax.experimental.pallas import tpu_sc as plsc

MU_CONST = 3.5
NUM_LANES = 16
NUM_CORES = 2
NUM_SUBCORES = 16
NUM_WORKERS = NUM_CORES * NUM_SUBCORES
BATCH_SIZE = 16384
FACTORS = 64
WROW = 2 * FACTORS
B_PER_W = BATCH_SIZE // NUM_WORKERS
GATHER_CHUNK = 128
CHUNKS = B_PER_W // GATHER_CHUNK
WIN = 128
WIN_SHIFT = 7
WIN_MASK = WIN - 1


def _sc_kernel(uidx_hbm, iidx_hbm, euw_hbm, eiw_hbm, ubw_hbm, ibw_hbm, out_hbm,
               uidx_v, iidx_v, uwin_v, iwin_v, ubwin_v, ibwin_v,
               upar_v, ipar_v, ulane_v, ilane_v,
               eu0_v, eu1_v, ei0_v, ei1_v, ubw_v, ibw_v, out_v,
               sem_idx, sem_e0, sem_e1, sem_bias):
    wid = lax.axis_index("s") * NUM_CORES + lax.axis_index("c")
    base = wid * B_PER_W

    idx_copies = []
    for j in range(CHUNKS):
        src = pl.ds(base + j * GATHER_CHUNK, GATHER_CHUNK)
        idx_copies.append(pltpu.async_copy(uidx_hbm.at[src], uidx_v.at[j], sem_idx))
        idx_copies.append(pltpu.async_copy(iidx_hbm.at[src], iidx_v.at[j], sem_idx))
    for c in idx_copies:
        c.wait()

    @pl.loop(0, B_PER_W, step=NUM_LANES)
    def _(p):
        j = p // GATHER_CHUNK
        sl = pl.ds(p % GATHER_CHUNK, NUM_LANES)
        fl = pl.ds(p, NUM_LANES)
        u = uidx_v[j, sl]
        i = iidx_v[j, sl]
        uwin_v[j, sl] = u >> 1
        iwin_v[j, sl] = i >> 1
        upar_v[fl] = (u & 1) << 6
        ipar_v[fl] = (i & 1) << 6
        ubwin_v[j, sl] = u >> WIN_SHIFT
        ibwin_v[j, sl] = i >> WIN_SHIFT
        ulane_v[fl] = u & WIN_MASK
        ilane_v[fl] = i & WIN_MASK

    eu_bufs = (eu0_v, eu1_v)
    ei_bufs = (ei0_v, ei1_v)
    sems = (sem_e0, sem_e1)

    def fire(j):
        b = j % 2
        return (pltpu.async_copy(euw_hbm.at[uwin_v.at[j]], eu_bufs[b], sems[b]),
                pltpu.async_copy(eiw_hbm.at[iwin_v.at[j]], ei_bufs[b], sems[b]))

    inflight = [fire(0), fire(1)]

    lane = lax.iota(jnp.int32, NUM_LANES)
    last_lane = lane == (NUM_LANES - 1)

    for j in range(CHUNKS):
        bias_copies = (
            pltpu.async_copy(ubw_hbm.at[ubwin_v.at[j]], ubw_v, sem_bias),
            pltpu.async_copy(ibw_hbm.at[ibwin_v.at[j]], ibw_v, sem_bias),
        )
        for c in inflight[0]:
            c.wait()
        inflight.pop(0)
        eu_v = eu_bufs[j % 2]
        ei_v = ei_bufs[j % 2]

        @pl.loop(0, GATHER_CHUNK)
        def _(q):
            r = j * GATHER_CHUNK + q
            po_u = upar_v[pl.ds(r, NUM_LANES)][0]
            po_i = ipar_v[pl.ds(r, NUM_LANES)][0]
            m = (eu_v[q, pl.ds(po_u, 16)] * ei_v[q, pl.ds(po_i, 16)]
                 + eu_v[q, pl.ds(po_u + 16, 16)] * ei_v[q, pl.ds(po_i + 16, 16)]
                 + eu_v[q, pl.ds(po_u + 32, 16)] * ei_v[q, pl.ds(po_i + 32, 16)]
                 + eu_v[q, pl.ds(po_u + 48, 16)] * ei_v[q, pl.ds(po_i + 48, 16)])
            cc = plsc.cumsum(m)
            plsc.store_compressed(out_v.at[pl.ds(r, NUM_LANES)], cc, mask=last_lane)

        if j + 2 < CHUNKS:
            inflight.append(fire(j + 2))
        for c in bias_copies:
            c.wait()

        @pl.loop(0, GATHER_CHUNK, step=NUM_LANES)
        def _(g):
            rows = lane + g
            fl = pl.ds(j * GATHER_CHUNK + g, NUM_LANES)
            ub = plsc.load_gather(ubw_v, [rows, ulane_v[fl]])
            ib = plsc.load_gather(ibw_v, [rows, ilane_v[fl]])
            out_v[fl] = out_v[fl] + ub + ib + MU_CONST

    pltpu.sync_copy(out_v.at[pl.ds(0, B_PER_W)], out_hbm.at[pl.ds(base, B_PER_W)])


def kernel(user_idx, item_idx, embed_user, embed_item, user_bias, item_bias):
    mesh = plsc.VectorSubcoreMesh(core_axis_name="c", subcore_axis_name="s")
    cp = pltpu.CompilerParams()
    if "needs_layout_passes" in pltpu.CompilerParams.__dataclass_fields__:
        cp = dataclasses.replace(cp, needs_layout_passes=False)
    if "use_tc_tiling_on_sc" in pltpu.CompilerParams.__dataclass_fields__:
        cp = dataclasses.replace(cp, use_tc_tiling_on_sc=True)
    run = pl.kernel(
        _sc_kernel,
        compiler_params=cp,
        out_type=jax.ShapeDtypeStruct((BATCH_SIZE,), jnp.float32),
        mesh=mesh,
        scratch_types=[
            pltpu.VMEM((CHUNKS, GATHER_CHUNK), jnp.int32),
            pltpu.VMEM((CHUNKS, GATHER_CHUNK), jnp.int32),
            pltpu.VMEM((CHUNKS, GATHER_CHUNK), jnp.int32),
            pltpu.VMEM((CHUNKS, GATHER_CHUNK), jnp.int32),
            pltpu.VMEM((CHUNKS, GATHER_CHUNK), jnp.int32),
            pltpu.VMEM((CHUNKS, GATHER_CHUNK), jnp.int32),
            pltpu.VMEM((B_PER_W + NUM_LANES,), jnp.int32),
            pltpu.VMEM((B_PER_W + NUM_LANES,), jnp.int32),
            pltpu.VMEM((B_PER_W,), jnp.int32),
            pltpu.VMEM((B_PER_W,), jnp.int32),
            pltpu.VMEM((GATHER_CHUNK, WROW), jnp.float32),
            pltpu.VMEM((GATHER_CHUNK, WROW), jnp.float32),
            pltpu.VMEM((GATHER_CHUNK, WROW), jnp.float32),
            pltpu.VMEM((GATHER_CHUNK, WROW), jnp.float32),
            pltpu.VMEM((GATHER_CHUNK, WIN), jnp.float32),
            pltpu.VMEM((GATHER_CHUNK, WIN), jnp.float32),
            pltpu.VMEM((B_PER_W + NUM_LANES,), jnp.float32),
            pltpu.SemaphoreType.DMA,
            pltpu.SemaphoreType.DMA,
            pltpu.SemaphoreType.DMA,
            pltpu.SemaphoreType.DMA,
        ],
    )
    ubp = jnp.pad(user_bias[:, 0], (0, (-user_bias.shape[0]) % WIN)).reshape(-1, WIN)
    ibp = jnp.pad(item_bias[:, 0], (0, (-item_bias.shape[0]) % WIN)).reshape(-1, WIN)
    return run(user_idx, item_idx,
               embed_user.reshape(-1, WROW), embed_item.reshape(-1, WROW),
               ubp, ibp)

# --- scband reference (transcript-rebuilt; emitter-appended) ---
"""Pipeline reference for scband-svdwith-bias-5549097747243 (READ-ONLY COPY).

The authoritative reference and input builder live on the scoring server;
editing this copy changes nothing except your own understanding.
"""

import jax, jax.numpy as jnp
import numpy as np

NUM_USERS = 1000000
NUM_ITEMS = 100000
NUM_FACTORS = 64
MU = 3.5
BATCH = 16384


def setup_inputs(seed: int = 0) -> dict:
    key = jax.random.key(seed)
    k1, k2, k3, k4, k5, k6 = jax.random.split(key, 6)
    user_idx = jax.random.randint(k1, (BATCH,), 0, NUM_USERS, dtype=jnp.int64 if jax.config.jax_enable_x64 else jnp.int32).astype(jnp.int32)
    item_idx = jax.random.randint(k2, (BATCH,), 0, NUM_ITEMS, dtype=jnp.int64 if jax.config.jax_enable_x64 else jnp.int32).astype(jnp.int32)
    # xavier_normal for embedding weights: std = sqrt(2/(fan_in+fan_out))
    std_u = float(np.sqrt(2.0 / (NUM_USERS + NUM_FACTORS)))
    std_i = float(np.sqrt(2.0 / (NUM_ITEMS + NUM_FACTORS)))
    std_ub = float(np.sqrt(2.0 / (NUM_USERS + 1)))
    std_ib = float(np.sqrt(2.0 / (NUM_ITEMS + 1)))
    embed_user = jax.random.normal(k3, (NUM_USERS, NUM_FACTORS), dtype=jnp.float32) * std_u
    embed_item = jax.random.normal(k4, (NUM_ITEMS, NUM_FACTORS), dtype=jnp.float32) * std_i
    user_bias = jax.random.normal(k5, (NUM_USERS, 1), dtype=jnp.float32) * std_ub
    item_bias = jax.random.normal(k6, (NUM_ITEMS, 1), dtype=jnp.float32) * std_ib
    return {
        "user_idx": user_idx,
        "item_idx": item_idx,
        "embed_user": embed_user,
        "embed_item": embed_item,
        "user_bias": user_bias,
        "item_bias": item_bias,
    }


def reference(user_idx, item_idx, embed_user, embed_item, user_bias, item_bias):
    eu = jnp.take(embed_user, user_idx, axis=0)  # [B, F]
    ei = jnp.take(embed_item, item_idx, axis=0)  # [B, F]
    ub = jnp.take(user_bias, user_idx, axis=0)   # [B, 1]
    ib = jnp.take(item_bias, item_idx, axis=0)   # [B, 1]
    out = (eu * ei).sum(axis=1) + jnp.squeeze(ub, axis=-1) + jnp.squeeze(ib, axis=-1) + MU
    return out

if __name__ == "__main__":
    import jax
    _d = setup_inputs()
    print(jax.jit(kernel)(*tuple(_d.values())))

</pallas_src>

<mosaic_0001>
#map = affine_map<(d0, d1) -> (0)>
#map1 = affine_map<(d0, d1) -> (0, 0)>
module attributes {stable_mosaic.version = 14 : i64} {
  func.func @_sc_kernel(%arg0: i32, %arg1: i32, %arg2: memref<16384xi32, #tpu.memory_space<hbm>>, %arg3: memref<16384xi32, #tpu.memory_space<hbm>>, %arg4: memref<500000x128xf32, #tpu.memory_space<hbm>>, %arg5: memref<50000x128xf32, #tpu.memory_space<hbm>>, %arg6: memref<7813x128xf32, #tpu.memory_space<hbm>>, %arg7: memref<782x128xf32, #tpu.memory_space<hbm>>, %arg8: memref<16384xf32, #tpu.memory_space<hbm>>, %arg9: memref<4x128xi32, #tpu.memory_space<vmem>>, %arg10: memref<4x128xi32, #tpu.memory_space<vmem>>, %arg11: memref<4x128xi32, #tpu.memory_space<vmem>>, %arg12: memref<4x128xi32, #tpu.memory_space<vmem>>, %arg13: memref<4x128xi32, #tpu.memory_space<vmem>>, %arg14: memref<4x128xi32, #tpu.memory_space<vmem>>, %arg15: memref<528xi32, #tpu.memory_space<vmem>>, %arg16: memref<528xi32, #tpu.memory_space<vmem>>, %arg17: memref<512xi32, #tpu.memory_space<vmem>>, %arg18: memref<512xi32, #tpu.memory_space<vmem>>, %arg19: memref<128x128xf32, #tpu.memory_space<vmem>>, %arg20: memref<128x128xf32, #tpu.memory_space<vmem>>, %arg21: memref<128x128xf32, #tpu.memory_space<vmem>>, %arg22: memref<128x128xf32, #tpu.memory_space<vmem>>, %arg23: memref<128x128xf32, #tpu.memory_space<vmem>>, %arg24: memref<128x128xf32, #tpu.memory_space<vmem>>, %arg25: memref<528xf32, #tpu.memory_space<vmem>>, %arg26: memref<!tpu.dma_semaphore, #tpu.memory_space<semaphore_mem>>, %arg27: memref<!tpu.dma_semaphore, #tpu.memory_space<semaphore_mem>>, %arg28: memref<!tpu.dma_semaphore, #tpu.memory_space<semaphore_mem>>, %arg29: memref<!tpu.dma_semaphore, #tpu.memory_space<semaphore_mem>>) attributes {dimension_semantics = [#tpu.dimension_semantics<core_parallel>, #tpu.dimension_semantics<subcore_parallel>], iteration_bounds = array<i64: 2, 16>, scalar_prefetch = 0 : i64, scratch_operands = 21 : i64, tpu.core_type = #tpu.core_type<sc_vector_subcore>, window_params = [{transform_indices = #map}, {transform_indices = #map}, {transform_indices = #map1}, {transform_indices = #map1}, {transform_indices = #map1}, {transform_indices = #map1}, {transform_indices = #map}]} {
    %mul3A = arith.constant 2 : i32
    %mul3A_0 = arith.muli %arg1, %mul3A : i32
    %add3A = arith.addi %mul3A_0, %arg0 : i32
    %mul3A_1 = arith.constant 512 : i32
    %mul3A_2 = arith.muli %add3A, %mul3A_1 : i32
    %add3A_3 = arith.constant 0 : i32
    %add3A_4 = arith.addi %mul3A_2, %add3A_3 : i32
    %dma_start3A = arith.constant 0 : i32
    %dma_start3A_5 = arith.constant 0 : i32
    %dma_start3A_6 = tpu.memref_slice %arg9[%dma_start3A, %dma_start3A_5] : memref<4x128xi32, #tpu.memory_space<vmem>> -> memref<1x128xi32, #tpu.memory_space<vmem>>
    %dma_start3A_7 = tpu.memref_squeeze %dma_start3A_6 : memref<1x128xi32, #tpu.memory_space<vmem>> -> memref<128xi32, #tpu.memory_space<vmem>>
    %dma_start3A_8 = tpu.memref_slice %arg2[%add3A_4] : memref<16384xi32, #tpu.memory_space<hbm>> -> memref<128xi32, #tpu.memory_space<hbm>>
    %dma_start3A_9 = arith.constant 0 : i32
    %dma_start3A_10 = tpu.memref_slice %arg9[%dma_start3A, %dma_start3A_9] : memref<4x128xi32, #tpu.memory_space<vmem>> -> memref<1x128xi32, #tpu.memory_space<vmem>>
    %dma_start3A_11 = tpu.memref_squeeze %dma_start3A_10 : memref<1x128xi32, #tpu.memory_space<vmem>> -> memref<128xi32, #tpu.memory_space<vmem>>
    %dma_start3A_12 = tpu.memref_slice %arg2[%add3A_4] : memref<16384xi32, #tpu.memory_space<hbm>> -> memref<128xi32, #tpu.memory_space<hbm>>
    tpu.enqueue_dma source(%dma_start3A_12 : memref<128xi32, #tpu.memory_space<hbm>>) target(%dma_start3A_11 : memref<128xi32, #tpu.memory_space<vmem>>) target_semaphore(%arg26 : memref<!tpu.dma_semaphore, #tpu.memory_space<semaphore_mem>>)
    %dma_start3A_13 = arith.constant 0 : i32
    %dma_start3A_14 = arith.constant 0 : i32
    %dma_start3A_15 = tpu.memref_slice %arg10[%dma_start3A_13, %dma_start3A_14] : memref<4x128xi32, #tpu.memory_space<vmem>> -> memref<1x128xi32, #tpu.memory_space<vmem>>
    %dma_start3A_16 = tpu.memref_squeeze %dma_start3A_15 : memref<1x128xi32, #tpu.memory_space<vmem>> -> memref<128xi32, #tpu.memory_space<vmem>>
    %dma_start3A_17 = tpu.memref_slice %arg3[%add3A_4] : memref<16384xi32, #tpu.memory_space<hbm>> -> memref<128xi32, #tpu.memory_space<hbm>>
    %dma_start3A_18 = arith.constant 0 : i32
    %dma_start3A_19 = tpu.memref_slice %arg10[%dma_start3A_13, %dma_start3A_18] : memref<4x128xi32, #tpu.memory_space<vmem>> -> memref<1x128xi32, #tpu.memory_space<vmem>>
    %dma_start3A_20 = tpu.memref_squeeze %dma_start3A_19 : memref<1x128xi32, #tpu.memory_space<vmem>> -> memref<128xi32, #tpu.memory_space<vmem>>
    %dma_start3A_21 = tpu.memref_slice %arg3[%add3A_4] : memref<16384xi32, #tpu.memory_space<hbm>> -> memref<128xi32, #tpu.memory_space<hbm>>
    tpu.enqueue_dma source(%dma_start3A_21 : memref<128xi32, #tpu.memory_space<hbm>>) target(%dma_start3A_20 : memref<128xi32, #tpu.memory_space<vmem>>) target_semaphore(%arg26 : memref<!tpu.dma_semaphore, #tpu.memory_space<semaphore_mem>>)
    %add3A_22 = arith.constant 128 : i32
    %add3A_23 = arith.addi %mul3A_2, %add3A_22 : i32
    %dma_start3A_24 = arith.constant 1 : i32
    %dma_start3A_25 = arith.constant 0 : i32
    %dma_start3A_26 = tpu.memref_slice %arg9[%dma_start3A_24, %dma_start3A_25] : memref<4x128xi32, #tpu.memory_space<vmem>> -> memref<1x128xi32, #tpu.memory_space<vmem>>
    %dma_start3A_27 = tpu.memref_squeeze %dma_start3A_26 : memref<1x128xi32, #tpu.memory_space<vmem>> -> memref<128xi32, #tpu.memory_space<vmem>>
    %dma_start3A_28 = tpu.memref_slice %arg2[%add3A_23] : memref<16384xi32, #tpu.memory_space<hbm>> -> memref<128xi32, #tpu.memory_space<hbm>>
    %dma_start3A_29 = arith.constant 0 : i32
    %dma_start3A_30 = tpu.memref_slice %arg9[%dma_start3A_24, %dma_start3A_29] : memref<4x128xi32, #tpu.memory_space<vmem>> -> memref<1x128xi32, #tpu.memory_space<vmem>>
    %dma_start3A_31 = tpu.memref_squeeze %dma_start3A_30 : memref<1x128xi32, #tpu.memory_space<vmem>> -> memref<128xi32, #tpu.memory_space<vmem>>
    %dma_start3A_32 = tpu.memref_slice %arg2[%add3A_23] : memref<16384xi32, #tpu.memory_space<hbm>> -> memref<128xi32, #tpu.memory_space<hbm>>
    tpu.enqueue_dma source(%dma_start3A_32 : memref<128xi32, #tpu.memory_space<hbm>>) target(%dma_start3A_31 : memref<128xi32, #tpu.memory_space<vmem>>) target_semaphore(%arg26 : memref<!tpu.dma_semaphore, #tpu.memory_space<semaphore_mem>>)
    %dma_start3A_33 = arith.constant 1 : i32
    %dma_start3A_34 = arith.constant 0 : i32
    %dma_start3A_35 = tpu.memref_slice %arg10[%dma_start3A_33, %dma_start3A_34] : memref<4x128xi32, #tpu.memory_space<vmem>> -> memref<1x128xi32, #tpu.memory_space<vmem>>
    %dma_start3A_36 = tpu.memref_squeeze %dma_start3A_35 : memref<1x128xi32, #tpu.memory_space<vmem>> -> memref<128xi32, #tpu.memory_space<vmem>>
    %dma_start3A_37 = tpu.memref_slice %arg3[%add3A_23] : memref<16384xi32, #tpu.memory_space<hbm>> -> memref<128xi32, #tpu.memory_space<hbm>>
    %dma_start3A_38 = arith.constant 0 : i32
    %dma_start3A_39 = tpu.memref_slice %arg10[%dma_start3A_33, %dma_start3A_38] : memref<4x128xi32, #tpu.memory_space<vmem>> -> memref<1x128xi32, #tpu.memory_space<vmem>>
    %dma_start3A_40 = tpu.memref_squeeze %dma_start3A_39 : memref<1x128xi32, #tpu.memory_space<vmem>> -> memref<128xi32, #tpu.memory_space<vmem>>
    %dma_start3A_41 = tpu.memref_slice %arg3[%add3A_23] : memref<16384xi32, #tpu.memory_space<hbm>> -> memref<128xi32, #tpu.memory_space<hbm>>
    tpu.enqueue_dma source(%dma_start3A_41 : memref<128xi32, #tpu.memory_space<hbm>>) target(%dma_start3A_40 : memref<128xi32, #tpu.memory_space<vmem>>) target_semaphore(%arg26 : memref<!tpu.dma_semaphore, #tpu.memory_space<semaphore_mem>>)
    %add3A_42 = arith.constant 256 : i32
    %add3A_43 = arith.addi %mul3A_2, %add3A_42 : i32
    %dma_start3A_44 = arith.constant 2 : i32
    %dma_start3A_45 = arith.constant 0 : i32
    %dma_start3A_46 = tpu.memref_slice %arg9[%dma_start3A_44, %dma_start3A_45] : memref<4x128xi32, #tpu.memory_space<vmem>> -> memref<1x128xi32, #tpu.memory_space<vmem>>
    %dma_start3A_47 = tpu.memref_squeeze %dma_start3A_46 : memref<1x128xi32, #tpu.memory_space<vmem>> -> memref<128xi32, #tpu.memory_space<vmem>>
    %dma_start3A_48 = tpu.memref_slice %arg2[%add3A_43] : memref<16384xi32, #tpu.memory_space<hbm>> -> memref<128xi32, #tpu.memory_space<hbm>>
    %dma_start3A_49 = arith.constant 0 : i32
    %dma_start3A_50 = tpu.memref_slice %arg9[%dma_start3A_44, %dma_start3A_49] : memref<4x128xi32, #tpu.memory_space<vmem>> -> memref<1x128xi32, #tpu.memory_space<vmem>>
    %dma_start3A_51 = tpu.memref_squeeze %dma_start3A_50 : memref<1x128xi32, #tpu.memory_space<vmem>> -> memref<128xi32, #tpu.memory_space<vmem>>
    %dma_start3A_52 = tpu.memref_slice %arg2[%add3A_43] : memref<16384xi32, #tpu.memory_space<hbm>> -> memref<128xi32, #tpu.memory_space<hbm>>
    tpu.enqueue_dma source(%dma_start3A_52 : memref<128xi32, #tpu.memory_space<hbm>>) target(%dma_start3A_51 : memref<128xi32, #tpu.memory_space<vmem>>) target_semaphore(%arg26 : memref<!tpu.dma_semaphore, #tpu.memory_space<semaphore_mem>>)
    %dma_start3A_53 = arith.constant 2 : i32
    %dma_start3A_54 = arith.constant 0 : i32
    %dma_start3A_55 = tpu.memref_slice %arg10[%dma_start3A_53, %dma_start3A_54] : memref<4x128xi32, #tpu.memory_space<vmem>> -> memref<1x128xi32, #tpu.memory_space<vmem>>
    %dma_start3A_56 = tpu.memref_squeeze %dma_start3A_55 : memref<1x128xi32, #tpu.memory_space<vmem>> -> memref<128xi32, #tpu.memory_space<vmem>>
    %dma_start3A_57 = tpu.memref_slice %arg3[%add3A_43] : memref<16384xi32, #tpu.memory_space<hbm>> -> memref<128xi32, #tpu.memory_space<hbm>>
    %dma_start3A_58 = arith.constant 0 : i32
    %dma_start3A_59 = tpu.memref_slice %arg10[%dma_start3A_53, %dma_start3A_58] : memref<4x128xi32, #tpu.memory_space<vmem>> -> memref<1x128xi32, #tpu.memory_space<vmem>>
    %dma_start3A_60 = tpu.memref_squeeze %dma_start3A_59 : memref<1x128xi32, #tpu.memory_space<vmem>> -> memref<128xi32, #tpu.memory_space<vmem>>
    %dma_start3A_61 = tpu.memref_slice %arg3[%add3A_43] : memref<16384xi32, #tpu.memory_space<hbm>> -> memref<128xi32, #tpu.memory_space<hbm>>
    tpu.enqueue_dma source(%dma_start3A_61 : memref<128xi32, #tpu.memory_space<hbm>>) target(%dma_start3A_60 : memref<128xi32, #tpu.memory_space<vmem>>) target_semaphore(%arg26 : memref<!tpu.dma_semaphore, #tpu.memory_space<semaphore_mem>>)
    %add3A_62 = arith.constant 384 : i32
    %add3A_63 = arith.addi %mul3A_2, %add3A_62 : i32
    %dma_start3A_64 = arith.constant 3 : i32
    %dma_start3A_65 = arith.constant 0 : i32
    %dma_start3A_66 = tpu.memref_slice %arg9[%dma_start3A_64, %dma_start3A_65] : memref<4x128xi32, #tpu.memory_space<vmem>> -> memref<1x128xi32, #tpu.memory_space<vmem>>
    %dma_start3A_67 = tpu.memref_squeeze %dma_start3A_66 : memref<1x128xi32, #tpu.memory_space<vmem>> -> memref<128xi32, #tpu.memory_space<vmem>>
    %dma_start3A_68 = tpu.memref_slice %arg2[%add3A_63] : memref<16384xi32, #tpu.memory_space<hbm>> -> memref<128xi32, #tpu.memory_space<hbm>>
    %dma_start3A_69 = arith.constant 0 : i32
    %dma_start3A_70 = tpu.memref_slice %arg9[%dma_start3A_64, %dma_start3A_69] : memref<4x128xi32, #tpu.memory_space<vmem>> -> memref<1x128xi32, #tpu.memory_space<vmem>>
    %dma_start3A_71 = tpu.memref_squeeze %dma_start3A_70 : memref<1x128xi32, #tpu.memory_space<vmem>> -> memref<128xi32, #tpu.memory_space<vmem>>
    %dma_start3A_72 = tpu.memref_slice %arg2[%add3A_63] : memref<16384xi32, #tpu.memory_space<hbm>> -> memref<128xi32, #tpu.memory_space<hbm>>
    tpu.enqueue_dma source(%dma_start3A_72 : memref<128xi32, #tpu.memory_space<hbm>>) target(%dma_start3A_71 : memref<128xi32, #tpu.memory_space<vmem>>) target_semaphore(%arg26 : memref<!tpu.dma_semaphore, #tpu.memory_space<semaphore_mem>>)
    %dma_start3A_73 = arith.constant 3 : i32
    %dma_start3A_74 = arith.constant 0 : i32
    %dma_start3A_75 = tpu.memref_slice %arg10[%dma_start3A_73, %dma_start3A_74] : memref<4x128xi32, #tpu.memory_space<vmem>> -> memref<1x128xi32, #tpu.memory_space<vmem>>
    %dma_start3A_76 = tpu.memref_squeeze %dma_start3A_75 : memref<1x128xi32, #tpu.memory_space<vmem>> -> memref<128xi32, #tpu.memory_space<vmem>>
    %dma_start3A_77 = tpu.memref_slice %arg3[%add3A_63] : memref<16384xi32, #tpu.memory_space<hbm>> -> memref<128xi32, #tpu.memory_space<hbm>>
    %dma_start3A_78 = arith.constant 0 : i32
    %dma_start3A_79 = tpu.memref_slice %arg10[%dma_start3A_73, %dma_start3A_78] : memref<4x128xi32, #tpu.memory_space<vmem>> -> memref<1x128xi32, #tpu.memory_space<vmem>>
    %dma_start3A_80 = tpu.memref_squeeze %dma_start3A_79 : memref<1x128xi32, #tpu.memory_space<vmem>> -> memref<128xi32, #tpu.memory_space<vmem>>
    %dma_start3A_81 = tpu.memref_slice %arg3[%add3A_63] : memref<16384xi32, #tpu.memory_space<hbm>> -> memref<128xi32, #tpu.memory_space<hbm>>
    tpu.enqueue_dma source(%dma_start3A_81 : memref<128xi32, #tpu.memory_space<hbm>>) target(%dma_start3A_80 : memref<128xi32, #tpu.memory_space<vmem>>) target_semaphore(%arg26 : memref<!tpu.dma_semaphore, #tpu.memory_space<semaphore_mem>>)
    %dma_wait3A = arith.constant 0 : i32
    %dma_wait3A_82 = arith.constant 0 : i32
    %dma_wait3A_83 = tpu.memref_slice %arg9[%dma_wait3A, %dma_wait3A_82] : memref<4x128xi32, #tpu.memory_space<vmem>> -> memref<1x128xi32, #tpu.memory_space<vmem>>
    %dma_wait3A_84 = tpu.memref_squeeze %dma_wait3A_83 : memref<1x128xi32, #tpu.memory_space<vmem>> -> memref<128xi32, #tpu.memory_space<vmem>>
    %dma_wait3A_85 = tpu.memref_slice %arg2[%add3A_4] : memref<16384xi32, #tpu.memory_space<hbm>> -> memref<128xi32, #tpu.memory_space<hbm>>
    %dma_wait3A_86 = arith.constant 0 : i32
    %dma_wait3A_87 = tpu.memref_slice %arg9[%dma_wait3A, %dma_wait3A_86] : memref<4x128xi32, #tpu.memory_space<vmem>> -> memref<1x128xi32, #tpu.memory_space<vmem>>
    %dma_wait3A_88 = tpu.memref_squeeze %dma_wait3A_87 : memref<1x128xi32, #tpu.memory_space<vmem>> -> memref<128xi32, #tpu.memory_space<vmem>>
    %dma_wait3A_89 = tpu.memref_slice %arg2[%add3A_4] : memref<16384xi32, #tpu.memory_space<hbm>> -> memref<128xi32, #tpu.memory_space<hbm>>
    tpu.wait_dma2 semaphore(%arg26 : memref<!tpu.dma_semaphore, #tpu.memory_space<semaphore_mem>>) src(%dma_wait3A_89 : memref<128xi32, #tpu.memory_space<hbm>>) dst(%dma_wait3A_88 : memref<128xi32, #tpu.memory_space<vmem>>)
    %dma_wait3A_90 = arith.constant 0 : i32
    %dma_wait3A_91 = arith.constant 0 : i32
    %dma_wait3A_92 = tpu.memref_slice %arg10[%dma_wait3A_90, %dma_wait3A_91] : memref<4x128xi32, #tpu.memory_space<vmem>> -> memref<1x128xi32, #tpu.memory_space<vmem>>
    %dma_wait3A_93 = tpu.memref_squeeze %dma_wait3A_92 : memref<1x128xi32, #tpu.memory_space<vmem>> -> memref<128xi32, #tpu.memory_space<vmem>>
    %dma_wait3A_94 = tpu.memref_slice %arg3[%add3A_4] : memref<16384xi32, #tpu.memory_space<hbm>> -> memref<128xi32, #tpu.memory_space<hbm>>
    %dma_wait3A_95 = arith.constant 0 : i32
    %dma_wait3A_96 = tpu.memref_slice %arg10[%dma_wait3A_90, %dma_wait3A_95] : memref<4x128xi32, #tpu.memory_space<vmem>> -> memref<1x128xi32, #tpu.memory_space<vmem>>
    %dma_wait3A_97 = tpu.memref_squeeze %dma_wait3A_96 : memref<1x128xi32, #tpu.memory_space<vmem>> -> memref<128xi32, #tpu.memory_space<vmem>>
    %dma_wait3A_98 = tpu.memref_slice %arg3[%add3A_4] : memref<16384xi32, #tpu.memory_space<hbm>> -> memref<128xi32, #tpu.memory_space<hbm>>
    tpu.wait_dma2 semaphore(%arg26 : memref<!tpu.dma_semaphore, #tpu.memory_space<semaphore_mem>>) src(%dma_wait3A_98 : memref<128xi32, #tpu.memory_space<hbm>>) dst(%dma_wait3A_97 : memref<128xi32, #tpu.memory_space<vmem>>)
    %dma_wait3A_99 = arith.constant 1 : i32
    %dma_wait3A_100 = arith.constant 0 : i32
    %dma_wait3A_101 = tpu.memref_slice %arg9[%dma_wait3A_99, %dma_wait3A_100] : memref<4x128xi32, #tpu.memory_space<vmem>> -> memref<1x128xi32, #tpu.memory_space<vmem>>
    %dma_wait3A_102 = tpu.memref_squeeze %dma_wait3A_101 : memref<1x128xi32, #tpu.memory_space<vmem>> -> memref<128xi32, #tpu.memory_space<vmem>>
    %dma_wait3A_103 = tpu.memref_slice %arg2[%add3A_23] : memref<16384xi32, #tpu.memory_space<hbm>> -> memref<128xi32, #tpu.memory_space<hbm>>
    %dma_wait3A_104 = arith.constant 0 : i32
    %dma_wait3A_105 = tpu.memref_slice %arg9[%dma_wait3A_99, %dma_wait3A_104] : memref<4x128xi32, #tpu.memory_space<vmem>> -> memref<1x128xi32, #tpu.memory_space<vmem>>
    %dma_wait3A_106 = tpu.memref_squeeze %dma_wait3A_105 : memref<1x128xi32, #tpu.memory_space<vmem>> -> memref<128xi32, #tpu.memory_space<vmem>>
    %dma_wait3A_107 = tpu.memref_slice %arg2[%add3A_23] : memref<16384xi32, #tpu.memory_space<hbm>> -> memref<128xi32, #tpu.memory_space<hbm>>
    tpu.wait_dma2 semaphore(%arg26 : memref<!tpu.dma_semaphore, #tpu.memory_space<semaphore_mem>>) src(%dma_wait3A_107 : memref<128xi32, #tpu.memory_space<hbm>>) dst(%dma_wait3A_106 : memref<128xi32, #tpu.memory_space<vmem>>)
    %dma_wait3A_108 = arith.constant 1 : i32
    %dma_wait3A_109 = arith.constant 0 : i32
    %dma_wait3A_110 = tpu.memref_slice %arg10[%dma_wait3A_108, %dma_wait3A_109] : memref<4x128xi32, #tpu.memory_space<vmem>> -> memref<1x128xi32, #tpu.memory_space<vmem>>
    %dma_wait3A_111 = tpu.memref_squeeze %dma_wait3A_110 : memref<1x128xi32, #tpu.memory_space<vmem>> -> memref<128xi32, #tpu.memory_space<vmem>>
    %dma_wait3A_112 = tpu.memref_slice %arg3[%add3A_23] : memref<16384xi32, #tpu.memory_space<hbm>> -> memref<128xi32, #tpu.memory_space<hbm>>
    %dma_wait3A_113 = arith.constant 0 : i32
    %dma_wait3A_114 = tpu.memref_slice %arg10[%dma_wait3A_108, %dma_wait3A_113] : memref<4x128xi32, #tpu.memory_space<vmem>> -> memref<1x128xi32, #tpu.memory_space<vmem>>
    %dma_wait3A_115 = tpu.memref_squeeze %dma_wait3A_114 : memref<1x128xi32, #tpu.memory_space<vmem>> -> memref<128xi32, #tpu.memory_space<vmem>>
    %dma_wait3A_116 = tpu.memref_slice %arg3[%add3A_23] : memref<16384xi32, #tpu.memory_space<hbm>> -> memref<128xi32, #tpu.memory_space<hbm>>
    tpu.wait_dma2 semaphore(%arg26 : memref<!tpu.dma_semaphore, #tpu.memory_space<semaphore_mem>>) src(%dma_wait3A_116 : memref<128xi32, #tpu.memory_space<hbm>>) dst(%dma_wait3A_115 : memref<128xi32, #tpu.memory_space<vmem>>)
    %dma_wait3A_117 = arith.constant 2 : i32
    %dma_wait3A_118 = arith.constant 0 : i32
    %dma_wait3A_119 = tpu.memref_slice %arg9[%dma_wait3A_117, %dma_wait3A_118] : memref<4x128xi32, #tpu.memory_space<vmem>> -> memref<1x128xi32, #tpu.memory_space<vmem>>
    %dma_wait3A_120 = tpu.memref_squeeze %dma_wait3A_119 : memref<1x128xi32, #tpu.memory_space<vmem>> -> memref<128xi32, #tpu.memory_space<vmem>>
    %dma_wait3A_121 = tpu.memref_slice %arg2[%add3A_43] : memref<16384xi32, #tpu.memory_space<hbm>> -> memref<128xi32, #tpu.memory_space<hbm>>
    %dma_wait3A_122 = arith.constant 0 : i32
    %dma_wait3A_123 = tpu.memref_slice %arg9[%dma_wait3A_117, %dma_wait3A_122] : memref<4x128xi32, #tpu.memory_space<vmem>> -> memref<1x128xi32, #tpu.memory_space<vmem>>
    %dma_wait3A_124 = tpu.memref_squeeze %dma_wait3A_123 : memref<1x128xi32, #tpu.memory_space<vmem>> -> memref<128xi32, #tpu.memory_space<vmem>>
    %dma_wait3A_125 = tpu.memref_slice %arg2[%add3A_43] : memref<16384xi32, #tpu.memory_space<hbm>> -> memref<128xi32, #tpu.memory_space<hbm>>
    tpu.wait_dma2 semaphore(%arg26 : memref<!tpu.dma_semaphore, #tpu.memory_space<semaphore_mem>>) src(%dma_wait3A_125 : memref<128xi32, #tpu.memory_space<hbm>>) dst(%dma_wait3A_124 : memref<128xi32, #tpu.memory_space<vmem>>)
    %dma_wait3A_126 = arith.constant 2 : i32
    %dma_wait3A_127 = arith.constant 0 : i32
    %dma_wait3A_128 = tpu.memref_slice %arg10[%dma_wait3A_126, %dma_wait3A_127] : memref<4x128xi32, #tpu.memory_space<vmem>> -> memref<1x128xi32, #tpu.memory_space<vmem>>
    %dma_wait3A_129 = tpu.memref_squeeze %dma_wait3A_128 : memref<1x128xi32, #tpu.memory_space<vmem>> -> memref<128xi32, #tpu.memory_space<vmem>>
    %dma_wait3A_130 = tpu.memref_slice %arg3[%add3A_43] : memref<16384xi32, #tpu.memory_space<hbm>> -> memref<128xi32, #tpu.memory_space<hbm>>
    %dma_wait3A_131 = arith.constant 0 : i32
    %dma_wait3A_132 = tpu.memref_slice %arg10[%dma_wait3A_126, %dma_wait3A_131] : memref<4x128xi32, #tpu.memory_space<vmem>> -> memref<1x128xi32, #tpu.memory_space<vmem>>
    %dma_wait3A_133 = tpu.memref_squeeze %dma_wait3A_132 : memref<1x128xi32, #tpu.memory_space<vmem>> -> memref<128xi32, #tpu.memory_space<vmem>>
    %dma_wait3A_134 = tpu.memref_slice %arg3[%add3A_43] : memref<16384xi32, #tpu.memory_space<hbm>> -> memref<128xi32, #tpu.memory_space<hbm>>
    tpu.wait_dma2 semaphore(%arg26 : memref<!tpu.dma_semaphore, #tpu.memory_space<semaphore_mem>>) src(%dma_wait3A_134 : memref<128xi32, #tpu.memory_space<hbm>>) dst(%dma_wait3A_133 : memref<128xi32, #tpu.memory_space<vmem>>)
    %dma_wait3A_135 = arith.constant 3 : i32
    %dma_wait3A_136 = arith.constant 0 : i32
    %dma_wait3A_137 = tpu.memref_slice %arg9[%dma_wait3A_135, %dma_wait3A_136] : memref<4x128xi32, #tpu.memory_space<vmem>> -> memref<1x128xi32, #tpu.memory_space<vmem>>
    %dma_wait3A_138 = tpu.memref_squeeze %dma_wait3A_137 : memref<1x128xi32, #tpu.memory_space<vmem>> -> memref<128xi32, #tpu.memory_space<vmem>>
    %dma_wait3A_139 = tpu.memref_slice %arg2[%add3A_63] : memref<16384xi32, #tpu.memory_space<hbm>> -> memref<128xi32, #tpu.memory_space<hbm>>
    %dma_wait3A_140 = arith.constant 0 : i32
    %dma_wait3A_141 = tpu.memref_slice %arg9[%dma_wait3A_135, %dma_wait3A_140] : memref<4x128xi32, #tpu.memory_space<vmem>> -> memref<1x128xi32, #tpu.memory_space<vmem>>
    %dma_wait3A_142 = tpu.memref_squeeze %dma_wait3A_141 : memref<1x128xi32, #tpu.memory_space<vmem>> -> memref<128xi32, #tpu.memory_space<vmem>>
    %dma_wait3A_143 = tpu.memref_slice %arg2[%add3A_63] : memref<16384xi32, #tpu.memory_space<hbm>> -> memref<128xi32, #tpu.memory_space<hbm>>
    tpu.wait_dma2 semaphore(%arg26 : memref<!tpu.dma_semaphore, #tpu.memory_space<semaphore_mem>>) src(%dma_wait3A_143 : memref<128xi32, #tpu.memory_space<hbm>>) dst(%dma_wait3A_142 : memref<128xi32, #tpu.memory_space<vmem>>)
    %dma_wait3A_144 = arith.constant 3 : i32
    %dma_wait3A_145 = arith.constant 0 : i32
    %dma_wait3A_146 = tpu.memref_slice %arg10[%dma_wait3A_144, %dma_wait3A_145] : memref<4x128xi32, #tpu.memory_space<vmem>> -> memref<1x128xi32, #tpu.memory_space<vmem>>
    %dma_wait3A_147 = tpu.memref_squeeze %dma_wait3A_146 : memref<1x128xi32, #tpu.memory_space<vmem>> -> memref<128xi32, #tpu.memory_space<vmem>>
    %dma_wait3A_148 = tpu.memref_slice %arg3[%add3A_63] : memref<16384xi32, #tpu.memory_space<hbm>> -> memref<128xi32, #tpu.memory_space<hbm>>
    %dma_wait3A_149 = arith.constant 0 : i32
    %dma_wait3A_150 = tpu.memref_slice %arg10[%dma_wait3A_144, %dma_wait3A_149] : memref<4x128xi32, #tpu.memory_space<vmem>> -> memref<1x128xi32, #tpu.memory_space<vmem>>
    %dma_wait3A_151 = tpu.memref_squeeze %dma_wait3A_150 : memref<1x128xi32, #tpu.memory_space<vmem>> -> memref<128xi32, #tpu.memory_space<vmem>>
    %dma_wait3A_152 = tpu.memref_slice %arg3[%add3A_63] : memref<16384xi32, #tpu.memory_space<hbm>> -> memref<128xi32, #tpu.memory_space<hbm>>
    tpu.wait_dma2 semaphore(%arg26 : memref<!tpu.dma_semaphore, #tpu.memory_space<semaphore_mem>>) src(%dma_wait3A_152 : memref<128xi32, #tpu.memory_space<hbm>>) dst(%dma_wait3A_151 : memref<128xi32, #tpu.memory_space<vmem>>)
    %scan3A = arith.constant 0 : i32
    %scan3A_153 = arith.constant 32 : i32
    %scan3A_154 = arith.addi %scan3A, %scan3A_153 : i32
    %scan3A_155 = arith.constant 1 : i32
    scf.for %scan3A_423 = %scan3A to %scan3A_154 step %scan3A_155  : i32 {
      %mul3A_424 = arith.constant 16 : i32
      %mul3A_425 = arith.muli %scan3A_423, %mul3A_424 : i32
      %add3A_426 = arith.constant 0 : i32
      %add3A_427 = arith.addi %add3A_426, %mul3A_425 : i32
      %jit3A = arith.constant 128 : i32
      %div3A = arith.divsi %add3A_427, %jit3A : i32
      %sign3A = arith.constant 0 : i32
      %sign3A_428 = arith.cmpi sgt, %add3A_427, %sign3A : i32
      %sign3A_429 = arith.extui %sign3A_428 : i1 to i32
      %sign3A_430 = arith.constant 0 : i32
      %sign3A_431 = arith.cmpi slt, %add3A_427, %sign3A_430 : i32
      %sign3A_432 = arith.extui %sign3A_431 : i1 to i32
      %sign3A_433 = arith.subi %sign3A_429, %sign3A_432 : i32
      %sign3A_434 = arith.constant 0 : i32
      %sign3A_435 = arith.cmpi sgt, %jit3A, %sign3A_434 : i32
      %sign3A_436 = arith.extui %sign3A_435 : i1 to i32
      %sign3A_437 = arith.constant 0 : i32
      %sign3A_438 = arith.cmpi slt, %jit3A, %sign3A_437 : i32
      %sign3A_439 = arith.extui %sign3A_438 : i1 to i32
      %sign3A_440 = arith.subi %sign3A_436, %sign3A_439 : i32
      %ne3A = arith.cmpi ne, %sign3A_433, %sign3A_440 : i32
      %rem3A = arith.remsi %add3A_427, %jit3A : i32
      %ne3A_441 = arith.constant 0 : i32
      %ne3A_442 = arith.cmpi ne, %rem3A, %ne3A_441 : i32
      %and3A = arith.andi %ne3A, %ne3A_442 : i1
      %sub3A = arith.constant 1 : i32
      %sub3A_443 = arith.subi %div3A, %sub3A : i32
      %select_n3A = arith.select %and3A, %sub3A_443, %div3A : i32
      %jit3A_444 = arith.constant 128 : i32
      %eq3A_445 = arith.constant 0 : i32
      %eq3A_446 = arith.cmpi eq, %jit3A_444, %eq3A_445 : i32
      %jit3A_447 = arith.constant 1 : i32
      %select_n3A_448 = arith.select %eq3A_446, %jit3A_447, %jit3A_444 : i32
      %rem3A_449 = arith.remsi %add3A_427, %select_n3A_448 : i32
      %ne3A_450 = arith.constant 0 : i32
      %ne3A_451 = arith.cmpi ne, %rem3A_449, %ne3A_450 : i32
      %lt3A = arith.constant 0 : i32
      %lt3A_452 = arith.cmpi slt, %rem3A_449, %lt3A : i32
      %lt3A_453 = arith.constant 0 : i32
      %lt3A_454 = arith.cmpi slt, %select_n3A_448, %lt3A_453 : i32
      %ne3A_455 = arith.xori %lt3A_452, %lt3A_454 : i1
      %and3A_456 = arith.andi %ne3A_455, %ne3A_451 : i1
      %add3A_457 = arith.addi %rem3A_449, %select_n3A_448 : i32
      %select_n3A_458 = arith.select %and3A_456, %add3A_457, %rem3A_449 : i32
      %get3A = arith.index_cast %select_n3A : i32 to index
      %get3A_459 = arith.index_cast %select_n3A_458 : i32 to index
      %get3A_460 = tpu.vector_load %arg9[%get3A, %get3A_459] {strides = array<i32>} : memref<4x128xi32, #tpu.memory_space<vmem>>, vector<16xi32>,
      %get3A_461 = arith.index_cast %select_n3A : i32 to index
      %get3A_462 = arith.index_cast %select_n3A_458 : i32 to index
      %get3A_463 = tpu.vector_load %arg10[%get3A_461, %get3A_462] {strides = array<i32>} : memref<4x128xi32, #tpu.memory_space<vmem>>, vector<16xi32>,
      %shift_right_arithmetic3A = arith.constant 1 : i32
      %shift_right_arithmetic3A_464 = vector.broadcast %shift_right_arithmetic3A : i32 to vector<16xi32>
      %shift_right_arithmetic3A_465 = arith.shrsi %get3A_460, %shift_right_arithmetic3A_464 : vector<16xi32>
      %swap3A = arith.index_cast %select_n3A : i32 to index
      %swap3A_466 = arith.index_cast %select_n3A_458 : i32 to index
      %swap3A_467 = tpu.vector_load %arg11[%swap3A, %swap3A_466] {strides = array<i32>} : memref<4x128xi32, #tpu.memory_space<vmem>>, vector<16xi32>,
      tpu.vector_store %arg11[%swap3A, %swap3A_466], %shift_right_arithmetic3A_465 {strides = array<i32>} : memref<4x128xi32, #tpu.memory_space<vmem>>, vector<16xi32>,
      %shift_right_arithmetic3A_468 = arith.constant 1 : i32
      %shift_right_arithmetic3A_469 = vector.broadcast %shift_right_arithmetic3A_468 : i32 to vector<16xi32>
      %shift_right_arithmetic3A_470 = arith.shrsi %get3A_463, %shift_right_arithmetic3A_469 : vector<16xi32>
      %swap3A_471 = arith.index_cast %select_n3A : i32 to index
      %swap3A_472 = arith.index_cast %select_n3A_458 : i32 to index
      %swap3A_473 = tpu.vector_load %arg12[%swap3A_471, %swap3A_472] {strides = array<i32>} : memref<4x128xi32, #tpu.memory_space<vmem>>, vector<16xi32>,
      tpu.vector_store %arg12[%swap3A_471, %swap3A_472], %shift_right_arithmetic3A_470 {strides = array<i32>} : memref<4x128xi32, #tpu.memory_space<vmem>>, vector<16xi32>,
      %and3A_474 = arith.constant 1 : i32
      %and3A_475 = vector.broadcast %and3A_474 : i32 to vector<16xi32>
      %and3A_476 = arith.andi %get3A_460, %and3A_475 : vector<16xi32>
      %shift_left3A = arith.constant 6 : i32
      %shift_left3A_477 = vector.broadcast %shift_left3A : i32 to vector<16xi32>
      %shift_left3A_478 = arith.shli %and3A_476, %shift_left3A_477 : vector<16xi32>
      %swap3A_479 = arith.index_cast %add3A_427 : i32 to index
      %swap3A_480 = tpu.vector_load %arg15[%swap3A_479] {strides = array<i32>} : memref<528xi32, #tpu.memory_space<vmem>>, vector<16xi32>,
      tpu.vector_store %arg15[%swap3A_479], %shift_left3A_478 {strides = array<i32>} : memref<528xi32, #tpu.memory_space<vmem>>, vector<16xi32>,
      %and3A_481 = arith.constant 1 : i32
      %and3A_482 = vector.broadcast %and3A_481 : i32 to vector<16xi32>
      %and3A_483 = arith.andi %get3A_463, %and3A_482 : vector<16xi32>
      %shift_left3A_484 = arith.constant 6 : i32
      %shift_left3A_485 = vector.broadcast %shift_left3A_484 : i32 to vector<16xi32>
      %shift_left3A_486 = arith.shli %and3A_483, %shift_left3A_485 : vector<16xi32>
      %swap3A_487 = arith.index_cast %add3A_427 : i32 to index
      %swap3A_488 = tpu.vector_load %arg16[%swap3A_487] {strides = array<i32>} : memref<528xi32, #tpu.memory_space<vmem>>, vector<16xi32>,
      tpu.vector_store %arg16[%swap3A_487], %shift_left3A_486 {strides = array<i32>} : memref<528xi32, #tpu.memory_space<vmem>>, vector<16xi32>,
      %shift_right_arithmetic3A_489 = arith.constant 7 : i32
      %shift_right_arithmetic3A_490 = vector.broadcast %shift_right_arithmetic3A_489 : i32 to vector<16xi32>
      %shift_right_arithmetic3A_491 = arith.shrsi %get3A_460, %shift_right_arithmetic3A_490 : vector<16xi32>
      %swap3A_492 = arith.index_cast %select_n3A : i32 to index
      %swap3A_493 = arith.index_cast %select_n3A_458 : i32 to index
      %swap3A_494 = tpu.vector_load %arg13[%swap3A_492, %swap3A_493] {strides = array<i32>} : memref<4x128xi32, #tpu.memory_space<vmem>>, vector<16xi32>,
      tpu.vector_store %arg13[%swap3A_492, %swap3A_493], %shift_right_arithmetic3A_491 {strides = array<i32>} : memref<4x128xi32, #tpu.memory_space<vmem>>, vector<16xi32>,
      %shift_right_arithmetic3A_495 = arith.constant 7 : i32
      %shift_right_arithmetic3A_496 = vector.broadcast %shift_right_arithmetic3A_495 : i32 to vector<16xi32>
      %shift_right_arithmetic3A_497 = arith.shrsi %get3A_463, %shift_right_arithmetic3A_496 : vector<16xi32>
      %swap3A_498 = arith.index_cast %select_n3A : i32 to index
      %swap3A_499 = arith.index_cast %select_n3A_458 : i32 to index
      %swap3A_500 = tpu.vector_load %arg14[%swap3A_498, %swap3A_499] {strides = array<i32>} : memref<4x128xi32, #tpu.memory_space<vmem>>, vector<16xi32>,
      tpu.vector_store %arg14[%swap3A_498, %swap3A_499], %shift_right_arithmetic3A_497 {strides = array<i32>} : memref<4x128xi32, #tpu.memory_space<vmem>>, vector<16xi32>,
      %and3A_501 = arith.constant 127 : i32
      %and3A_502 = vector.broadcast %and3A_501 : i32 to vector<16xi32>
      %and3A_503 = arith.andi %get3A_460, %and3A_502 : vector<16xi32>
      %swap3A_504 = arith.index_cast %add3A_427 : i32 to index
      %swap3A_505 = tpu.vector_load %arg17[%swap3A_504] {strides = array<i32>} : memref<512xi32, #tpu.memory_space<vmem>>, vector<16xi32>,
      tpu.vector_store %arg17[%swap3A_504], %and3A_503 {strides = array<i32>} : memref<512xi32, #tpu.memory_space<vmem>>, vector<16xi32>,
      %and3A_506 = arith.constant 127 : i32
      %and3A_507 = vector.broadcast %and3A_506 : i32 to vector<16xi32>
      %and3A_508 = arith.andi %get3A_463, %and3A_507 : vector<16xi32>
      %swap3A_509 = arith.index_cast %add3A_427 : i32 to index
      %swap3A_510 = tpu.vector_load %arg18[%swap3A_509] {strides = array<i32>} : memref<512xi32, #tpu.memory_space<vmem>>, vector<16xi32>,
      tpu.vector_store %arg18[%swap3A_509], %and3A_508 {strides = array<i32>} : memref<512xi32, #tpu.memory_space<vmem>>, vector<16xi32>,
    }
    %scan3A_156 = arith.constant 32 : i32
    %dma_start3A_157 = arith.constant 0 : i32
    %dma_start3A_158 = arith.constant 0 : i32
    %dma_start3A_159 = tpu.memref_slice %arg11[%dma_start3A_157, %dma_start3A_158] : memref<4x128xi32, #tpu.memory_space<vmem>> -> memref<1x128xi32, #tpu.memory_space<vmem>>
    %dma_start3A_160 = tpu.memref_squeeze %dma_start3A_159 : memref<1x128xi32, #tpu.memory_space<vmem>> -> memref<128xi32, #tpu.memory_space<vmem>>
    %dma_start3A_161 = arith.constant 0 : i32
    %dma_start3A_162 = arith.constant 0 : i32
    %dma_start3A_163 = tpu.memref_slice %arg4[%dma_start3A_161, %dma_start3A_162] : memref<500000x128xf32, #tpu.memory_space<hbm>> -> memref<500000x128xf32, #tpu.memory_space<hbm>>
    tpu.enqueue_indirect_dma source(%dma_start3A_163 : memref<500000x128xf32, #tpu.memory_space<hbm>>) target(%arg19 : memref<128x128xf32, #tpu.memory_space<vmem>>) offsets(%dma_start3A_160 : memref<128xi32, #tpu.memory_space<vmem>>) semaphore(%arg27 : memref<!tpu.dma_semaphore, #tpu.memory_space<semaphore_mem>>)
    %dma_start3A_164 = arith.constant 0 : i32
    %dma_start3A_165 = arith.constant 0 : i32
    %dma_start3A_166 = tpu.memref_slice %arg12[%dma_start3A_164, %dma_start3A_165] : memref<4x128xi32, #tpu.memory_space<vmem>> -> memref<1x128xi32, #tpu.memory_space<vmem>>
    %dma_start3A_167 = tpu.memref_squeeze %dma_start3A_166 : memref<1x128xi32, #tpu.memory_space<vmem>> -> memref<128xi32, #tpu.memory_space<vmem>>
    %dma_start3A_168 = arith.constant 0 : i32
    %dma_start3A_169 = arith.constant 0 : i32
    %dma_start3A_170 = tpu.memref_slice %arg5[%dma_start3A_168, %dma_start3A_169] : memref<50000x128xf32, #tpu.memory_space<hbm>> -> memref<50000x128xf32, #tpu.memory_space<hbm>>
    tpu.enqueue_indirect_dma source(%dma_start3A_170 : memref<50000x128xf32, #tpu.memory_space<hbm>>) target(%arg21 : memref<128x128xf32, #tpu.memory_space<vmem>>) offsets(%dma_start3A_167 : memref<128xi32, #tpu.memory_space<vmem>>) semaphore(%arg27 : memref<!tpu.dma_semaphore, #tpu.memory_space<semaphore_mem>>)
    %dma_start3A_171 = arith.constant 1 : i32
    %dma_start3A_172 = arith.constant 0 : i32
    %dma_start3A_173 = tpu.memref_slice %arg11[%dma_start3A_171, %dma_start3A_172] : memref<4x128xi32, #tpu.memory_space<vmem>> -> memref<1x128xi32, #tpu.memory_space<vmem>>
    %dma_start3A_174 = tpu.memref_squeeze %dma_start3A_173 : memref<1x128xi32, #tpu.memory_space<vmem>> -> memref<128xi32, #tpu.memory_space<vmem>>
    %dma_start3A_175 = arith.constant 0 : i32
    %dma_start3A_176 = arith.constant 0 : i32
    %dma_start3A_177 = tpu.memref_slice %arg4[%dma_start3A_175, %dma_start3A_176] : memref<500000x128xf32, #tpu.memory_space<hbm>> -> memref<500000x128xf32, #tpu.memory_space<hbm>>
    tpu.enqueue_indirect_dma source(%dma_start3A_177 : memref<500000x128xf32, #tpu.memory_space<hbm>>) target(%arg20 : memref<128x128xf32, #tpu.memory_space<vmem>>) offsets(%dma_start3A_174 : memref<128xi32, #tpu.memory_space<vmem>>) semaphore(%arg28 : memref<!tpu.dma_semaphore, #tpu.memory_space<semaphore_mem>>)
    %dma_start3A_178 = arith.constant 1 : i32
    %dma_start3A_179 = arith.constant 0 : i32
    %dma_start3A_180 = tpu.memref_slice %arg12[%dma_start3A_178, %dma_start3A_179] : memref<4x128xi32, #tpu.memory_space<vmem>> -> memref<1x128xi32, #tpu.memory_space<vmem>>
    %dma_start3A_181 = tpu.memref_squeeze %dma_start3A_180 : memref<1x128xi32, #tpu.memory_space<vmem>> -> memref<128xi32, #tpu.memory_space<vmem>>
    %dma_start3A_182 = arith.constant 0 : i32
    %dma_start3A_183 = arith.constant 0 : i32
    %dma_start3A_184 = tpu.memref_slice %arg5[%dma_start3A_182, %dma_start3A_183] : memref<50000x128xf32, #tpu.memory_space<hbm>> -> memref<50000x128xf32, #tpu.memory_space<hbm>>
    tpu.enqueue_indirect_dma source(%dma_start3A_184 : memref<50000x128xf32, #tpu.memory_space<hbm>>) target(%arg22 : memref<128x128xf32, #tpu.memory_space<vmem>>) offsets(%dma_start3A_181 : memref<128xi32, #tpu.memory_space<vmem>>) semaphore(%arg28 : memref<!tpu.dma_semaphore, #tpu.memory_space<semaphore_mem>>)
    %iota3A = tpu.iota {dimensions = array<i32: 0>} : vector<16xi32>
    %eq3A = arith.constant 15 : i32
    %eq3A_185 = vector.broadcast %eq3A : i32 to vector<16xi32>
    %eq3A_186 = arith.cmpi eq, %iota3A, %eq3A_185 : vector<16xi32>
    %dma_start3A_187 = arith.constant 0 : i32
    %dma_start3A_188 = arith.constant 0 : i32
    %dma_start3A_189 = tpu.memref_slice %arg13[%dma_start3A_187, %dma_start3A_188] : memref<4x128xi32, #tpu.memory_space<vmem>> -> memref<1x128xi32, #tpu.memory_space<vmem>>
    %dma_start3A_190 = tpu.memref_squeeze %dma_start3A_189 : memref<1x128xi32, #tpu.memory_space<vmem>> -> memref<128xi32, #tpu.memory_space<vmem>>
    %dma_start3A_191 = arith.constant 0 : i32
    %dma_start3A_192 = arith.constant 0 : i32
    %dma_start3A_193 = tpu.memref_slice %arg6[%dma_start3A_191, %dma_start3A_192] : memref<7813x128xf32, #tpu.memory_space<hbm>> -> memref<7813x128xf32, #tpu.memory_space<hbm>>
    tpu.enqueue_indirect_dma source(%dma_start3A_193 : memref<7813x128xf32, #tpu.memory_space<hbm>>) target(%arg23 : memref<128x128xf32, #tpu.memory_space<vmem>>) offsets(%dma_start3A_190 : memref<128xi32, #tpu.memory_space<vmem>>) semaphore(%arg29 : memref<!tpu.dma_semaphore, #tpu.memory_space<semaphore_mem>>)
    %dma_start3A_194 = arith.constant 0 : i32
    %dma_start3A_195 = arith.constant 0 : i32
    %dma_start3A_196 = tpu.memref_slice %arg14[%dma_start3A_194, %dma_start3A_195] : memref<4x128xi32, #tpu.memory_space<vmem>> -> memref<1x128xi32, #tpu.memory_space<vmem>>
    %dma_start3A_197 = tpu.memref_squeeze %dma_start3A_196 : memref<1x128xi32, #tpu.memory_space<vmem>> -> memref<128xi32, #tpu.memory_space<vmem>>
    %dma_start3A_198 = arith.constant 0 : i32
    %dma_start3A_199 = arith.constant 0 : i32
    %dma_start3A_200 = tpu.memref_slice %arg7[%dma_start3A_198, %dma_start3A_199] : memref<782x128xf32, #tpu.memory_space<hbm>> -> memref<782x128xf32, #tpu.memory_space<hbm>>
    tpu.enqueue_indirect_dma source(%dma_start3A_200 : memref<782x128xf32, #tpu.memory_space<hbm>>) target(%arg24 : memref<128x128xf32, #tpu.memory_space<vmem>>) offsets(%dma_start3A_197 : memref<128xi32, #tpu.memory_space<vmem>>) semaphore(%arg29 : memref<!tpu.dma_semaphore, #tpu.memory_space<semaphore_mem>>)
    %dma_wait3A_201 = arith.constant 0 : i32
    %dma_wait3A_202 = arith.constant 0 : i32
    %dma_wait3A_203 = tpu.memref_slice %arg11[%dma_wait3A_201, %dma_wait3A_202] : memref<4x128xi32, #tpu.memory_space<vmem>> -> memref<1x128xi32, #tpu.memory_space<vmem>>
    %dma_wait3A_204 = tpu.memref_squeeze %dma_wait3A_203 : memref<1x128xi32, #tpu.memory_space<vmem>> -> memref<128xi32, #tpu.memory_space<vmem>>
    %dma_wait3A_205 = arith.constant 0 : i32
    %dma_wait3A_206 = arith.constant 0 : i32
    %dma_wait3A_207 = tpu.memref_slice %arg4[%dma_wait3A_205, %dma_wait3A_206] : memref<500000x128xf32, #tpu.memory_space<hbm>> -> memref<500000x128xf32, #tpu.memory_space<hbm>>
    tpu.wait_indirect_dma semaphore(%arg27 : memref<!tpu.dma_semaphore, #tpu.memory_space<semaphore_mem>>) src(%dma_wait3A_207 : memref<500000x128xf32, #tpu.memory_space<hbm>>) dst(%arg19 : memref<128x128xf32, #tpu.memory_space<vmem>>)
    %dma_wait3A_208 = arith.constant 0 : i32
    %dma_wait3A_209 = arith.constant 0 : i32
    %dma_wait3A_210 = tpu.memref_slice %arg12[%dma_wait3A_208, %dma_wait3A_209] : memref<4x128xi32, #tpu.memory_space<vmem>> -> memref<1x128xi32, #tpu.memory_space<vmem>>
    %dma_wait3A_211 = tpu.memref_squeeze %dma_wait3A_210 : memref<1x128xi32, #tpu.memory_space<vmem>> -> memref<128xi32, #tpu.memory_space<vmem>>
    %dma_wait3A_212 = arith.constant 0 : i32
    %dma_wait3A_213 = arith.constant 0 : i32
    %dma_wait3A_214 = tpu.memref_slice %arg5[%dma_wait3A_212, %dma_wait3A_213] : memref<50000x128xf32, #tpu.memory_space<hbm>> -> memref<50000x128xf32, #tpu.memory_space<hbm>>
    tpu.wait_indirect_dma semaphore(%arg27 : memref<!tpu.dma_semaphore, #tpu.memory_space<semaphore_mem>>) src(%dma_wait3A_214 : memref<50000x128xf32, #tpu.memory_space<hbm>>) dst(%arg21 : memref<128x128xf32, #tpu.memory_space<vmem>>)
    %scan3A_215 = arith.constant 0 : i32
    %scan3A_216 = arith.constant 128 : i32
    %scan3A_217 = arith.addi %scan3A_215, %scan3A_216 : i32
    %scan3A_218 = arith.constant 1 : i32
    scf.for %scan3A_423 = %scan3A_215 to %scan3A_217 step %scan3A_218  : i32 {
      %mul3A_424 = arith.constant 1 : i32
      %mul3A_425 = arith.muli %scan3A_423, %mul3A_424 : i32
      %add3A_426 = arith.constant 0 : i32
      %add3A_427 = arith.addi %add3A_426, %mul3A_425 : i32
      %add3A_428 = arith.constant 0 : i32
      %add3A_429 = arith.addi %add3A_428, %add3A_427 : i32
      %get3A = arith.index_cast %add3A_429 : i32 to index
      %get3A_430 = tpu.vector_load %arg15[%get3A] {strides = array<i32>} : memref<528xi32, #tpu.memory_space<vmem>>, vector<16xi32>,
      %slice3A = vector.extract_strided_slice %get3A_430 {offsets = [0], sizes = [1], strides = [1]} : vector<16xi32> to vector<1xi32>
      %squeeze3A = vector.extract %slice3A[0] : i32 from vector<1xi32>
      %get3A_431 = arith.index_cast %add3A_429 : i32 to index
      %get3A_432 = tpu.vector_load %arg16[%get3A_431] {strides = array<i32>} : memref<528xi32, #tpu.memory_space<vmem>>, vector<16xi32>,
      %slice3A_433 = vector.extract_strided_slice %get3A_432 {offsets = [0], sizes = [1], strides = [1]} : vector<16xi32> to vector<1xi32>
      %squeeze3A_434 = vector.extract %slice3A_433[0] : i32 from vector<1xi32>
      %get3A_435 = arith.index_cast %add3A_427 : i32 to index
      %get3A_436 = arith.index_cast %squeeze3A : i32 to index
      %get3A_437 = tpu.vector_load %arg19[%get3A_435, %get3A_436] {strides = array<i32>} : memref<128x128xf32, #tpu.memory_space<vmem>>, vector<16xf32>,
      %get3A_438 = arith.index_cast %add3A_427 : i32 to index
      %get3A_439 = arith.index_cast %squeeze3A_434 : i32 to index
      %get3A_440 = tpu.vector_load %arg21[%get3A_438, %get3A_439] {strides = array<i32>} : memref<128x128xf32, #tpu.memory_space<vmem>>, vector<16xf32>,
      %mul3A_441 = arith.mulf %get3A_437, %get3A_440 : vector<16xf32>
      %add3A_442 = arith.constant 16 : i32
      %add3A_443 = arith.addi %squeeze3A, %add3A_442 : i32
      %get3A_444 = arith.index_cast %add3A_427 : i32 to index
      %get3A_445 = arith.index_cast %add3A_443 : i32 to index
      %get3A_446 = tpu.vector_load %arg19[%get3A_444, %get3A_445] {strides = array<i32>} : memref<128x128xf32, #tpu.memory_space<vmem>>, vector<16xf32>,
      %add3A_447 = arith.constant 16 : i32
      %add3A_448 = arith.addi %squeeze3A_434, %add3A_447 : i32
      %get3A_449 = arith.index_cast %add3A_427 : i32 to index
      %get3A_450 = arith.index_cast %add3A_448 : i32 to index
      %get3A_451 = tpu.vector_load %arg21[%get3A_449, %get3A_450] {strides = array<i32>} : memref<128x128xf32, #tpu.memory_space<vmem>>, vector<16xf32>,
      %mul3A_452 = arith.mulf %get3A_446, %get3A_451 : vector<16xf32>
      %add3A_453 = arith.addf %mul3A_441, %mul3A_452 : vector<16xf32>
      %add3A_454 = arith.constant 32 : i32
      %add3A_455 = arith.addi %squeeze3A, %add3A_454 : i32
      %get3A_456 = arith.index_cast %add3A_427 : i32 to index
      %get3A_457 = arith.index_cast %add3A_455 : i32 to index
      %get3A_458 = tpu.vector_load %arg19[%get3A_456, %get3A_457] {strides = array<i32>} : memref<128x128xf32, #tpu.memory_space<vmem>>, vector<16xf32>,
      %add3A_459 = arith.constant 32 : i32
      %add3A_460 = arith.addi %squeeze3A_434, %add3A_459 : i32
      %get3A_461 = arith.index_cast %add3A_427 : i32 to index
      %get3A_462 = arith.index_cast %add3A_460 : i32 to index
      %get3A_463 = tpu.vector_load %arg21[%get3A_461, %get3A_462] {strides = array<i32>} : memref<128x128xf32, #tpu.memory_space<vmem>>, vector<16xf32>,
      %mul3A_464 = arith.mulf %get3A_458, %get3A_463 : vector<16xf32>
      %add3A_465 = arith.addf %add3A_453, %mul3A_464 : vector<16xf32>
      %add3A_466 = arith.constant 48 : i32
      %add3A_467 = arith.addi %squeeze3A, %add3A_466 : i32
      %get3A_468 = arith.index_cast %add3A_427 : i32 to index
      %get3A_469 = arith.index_cast %add3A_467 : i32 to index
      %get3A_470 = tpu.vector_load %arg19[%get3A_468, %get3A_469] {strides = array<i32>} : memref<128x128xf32, #tpu.memory_space<vmem>>, vector<16xf32>,
      %add3A_471 = arith.constant 48 : i32
      %add3A_472 = arith.addi %squeeze3A_434, %add3A_471 : i32
      %get3A_473 = arith.index_cast %add3A_427 : i32 to index
      %get3A_474 = arith.index_cast %add3A_472 : i32 to index
      %get3A_475 = tpu.vector_load %arg21[%get3A_473, %get3A_474] {strides = array<i32>} : memref<128x128xf32, #tpu.memory_space<vmem>>, vector<16xf32>,
      %mul3A_476 = arith.mulf %get3A_470, %get3A_475 : vector<16xf32>
      %add3A_477 = arith.addf %add3A_465, %mul3A_476 : vector<16xf32>
      %broadcast_in_dim3A = arith.constant true
      %broadcast_in_dim3A_478 = vector.broadcast %broadcast_in_dim3A : i1 to vector<16xi1>
      %masked_cumsum3A = tpu.scan <sum>, %add3A_477 masked %broadcast_in_dim3A_478 : vector<16xf32>, vector<16xi1> -> vector<16xf32>
      %swap3A = arith.index_cast %add3A_429 : i32 to index
      %swap3A_479 = tpu.vector_load %arg25[%swap3A] masked %eq3A_186 {strides = array<i32>} : memref<528xf32, #tpu.memory_space<vmem>>, vector<16xf32>, vector<16xi1>
      tpu.vector_store %arg25[%swap3A], %masked_cumsum3A masked %eq3A_186 {strides = array<i32>} : memref<528xf32, #tpu.memory_space<vmem>>, vector<16xf32>, vector<16xi1>
    }
    %scan3A_219 = arith.constant 128 : i32
    %dma_start3A_220 = arith.constant 2 : i32
    %dma_start3A_221 = arith.constant 0 : i32
    %dma_start3A_222 = tpu.memref_slice %arg11[%dma_start3A_220, %dma_start3A_221] : memref<4x128xi32, #tpu.memory_space<vmem>> -> memref<1x128xi32, #tpu.memory_space<vmem>>
    %dma_start3A_223 = tpu.memref_squeeze %dma_start3A_222 : memref<1x128xi32, #tpu.memory_space<vmem>> -> memref<128xi32, #tpu.memory_space<vmem>>
    %dma_start3A_224 = arith.constant 0 : i32
    %dma_start3A_225 = arith.constant 0 : i32
    %dma_start3A_226 = tpu.memref_slice %arg4[%dma_start3A_224, %dma_start3A_225] : memref<500000x128xf32, #tpu.memory_space<hbm>> -> memref<500000x128xf32, #tpu.memory_space<hbm>>
    tpu.enqueue_indirect_dma source(%dma_start3A_226 : memref<500000x128xf32, #tpu.memory_space<hbm>>) target(%arg19 : memref<128x128xf32, #tpu.memory_space<vmem>>) offsets(%dma_start3A_223 : memref<128xi32, #tpu.memory_space<vmem>>) semaphore(%arg27 : memref<!tpu.dma_semaphore, #tpu.memory_space<semaphore_mem>>)
    %dma_start3A_227 = arith.constant 2 : i32
    %dma_start3A_228 = arith.constant 0 : i32
    %dma_start3A_229 = tpu.memref_slice %arg12[%dma_start3A_227, %dma_start3A_228] : memref<4x128xi32, #tpu.memory_space<vmem>> -> memref<1x128xi32, #tpu.memory_space<vmem>>
    %dma_start3A_230 = tpu.memref_squeeze %dma_start3A_229 : memref<1x128xi32, #tpu.memory_space<vmem>> -> memref<128xi32, #tpu.memory_space<vmem>>
    %dma_start3A_231 = arith.constant 0 : i32
    %dma_start3A_232 = arith.constant 0 : i32
    %dma_start3A_233 = tpu.memref_slice %arg5[%dma_start3A_231, %dma_start3A_232] : memref<50000x128xf32, #tpu.memory_space<hbm>> -> memref<50000x128xf32, #tpu.memory_space<hbm>>
    tpu.enqueue_indirect_dma source(%dma_start3A_233 : memref<50000x128xf32, #tpu.memory_space<hbm>>) target(%arg21 : memref<128x128xf32, #tpu.memory_space<vmem>>) offsets(%dma_start3A_230 : memref<128xi32, #tpu.memory_space<vmem>>) semaphore(%arg27 : memref<!tpu.dma_semaphore, #tpu.memory_space<semaphore_mem>>)
    %dma_wait3A_234 = arith.constant 0 : i32
    %dma_wait3A_235 = arith.constant 0 : i32
    %dma_wait3A_236 = tpu.memref_slice %arg13[%dma_wait3A_234, %dma_wait3A_235] : memref<4x128xi32, #tpu.memory_space<vmem>> -> memref<1x128xi32, #tpu.memory_space<vmem>>
    %dma_wait3A_237 = tpu.memref_squeeze %dma_wait3A_236 : memref<1x128xi32, #tpu.memory_space<vmem>> -> memref<128xi32, #tpu.memory_space<vmem>>
    %dma_wait3A_238 = arith.constant 0 : i32
    %dma_wait3A_239 = arith.constant 0 : i32
    %dma_wait3A_240 = tpu.memref_slice %arg6[%dma_wait3A_238, %dma_wait3A_239] : memref<7813x128xf32, #tpu.memory_space<hbm>> -> memref<7813x128xf32, #tpu.memory_space<hbm>>
    tpu.wait_indirect_dma semaphore(%arg29 : memref<!tpu.dma_semaphore, #tpu.memory_space<semaphore_mem>>) src(%dma_wait3A_240 : memref<7813x128xf32, #tpu.memory_space<hbm>>) dst(%arg23 : memref<128x128xf32, #tpu.memory_space<vmem>>)
    %dma_wait3A_241 = arith.constant 0 : i32
    %dma_wait3A_242 = arith.constant 0 : i32
    %dma_wait3A_243 = tpu.memref_slice %arg14[%dma_wait3A_241, %dma_wait3A_242] : memref<4x128xi32, #tpu.memory_space<vmem>> -> memref<1x128xi32, #tpu.memory_space<vmem>>
    %dma_wait3A_244 = tpu.memref_squeeze %dma_wait3A_243 : memref<1x128xi32, #tpu.memory_space<vmem>> -> memref<128xi32, #tpu.memory_space<vmem>>
    %dma_wait3A_245 = arith.constant 0 : i32
    %dma_wait3A_246 = arith.constant 0 : i32
    %dma_wait3A_247 = tpu.memref_slice %arg7[%dma_wait3A_245, %dma_wait3A_246] : memref<782x128xf32, #tpu.memory_space<hbm>> -> memref<782x128xf32, #tpu.memory_space<hbm>>
    tpu.wait_indirect_dma semaphore(%arg29 : memref<!tpu.dma_semaphore, #tpu.memory_space<semaphore_mem>>) src(%dma_wait3A_247 : memref<782x128xf32, #tpu.memory_space<hbm>>) dst(%arg24 : memref<128x128xf32, #tpu.memory_space<vmem>>)
    %scan3A_248 = arith.constant 0 : i32
    %scan3A_249 = arith.constant 8 : i32
    %scan3A_250 = arith.addi %scan3A_248, %scan3A_249 : i32
    %scan3A_251 = arith.constant 1 : i32
    scf.for %scan3A_423 = %scan3A_248 to %scan3A_250 step %scan3A_251  : i32 {
      %mul3A_424 = arith.constant 16 : i32
      %mul3A_425 = arith.muli %scan3A_423, %mul3A_424 : i32
      %add3A_426 = arith.constant 0 : i32
      %add3A_427 = arith.addi %add3A_426, %mul3A_425 : i32
      %add3A_428 = vector.broadcast %add3A_427 : i32 to vector<16xi32>
      %add3A_429 = arith.addi %iota3A, %add3A_428 : vector<16xi32>
      %add3A_430 = arith.constant 0 : i32
      %add3A_431 = arith.addi %add3A_430, %add3A_427 : i32
      %get3A = arith.index_cast %add3A_431 : i32 to index
      %get3A_432 = tpu.vector_load %arg17[%get3A] {strides = array<i32>} : memref<512xi32, #tpu.memory_space<vmem>>, vector<16xi32>,
      %gather3A = tpu.vector_load_idx %arg23[%add3A_429, %get3A_432] : memref<128x128xf32, #tpu.memory_space<vmem>>[vector<16xi32>, vector<16xi32>], vector<16xf32>,
      %get3A_433 = arith.index_cast %add3A_431 : i32 to index
      %get3A_434 = tpu.vector_load %arg18[%get3A_433] {strides = array<i32>} : memref<512xi32, #tpu.memory_space<vmem>>, vector<16xi32>,
      %gather3A_435 = tpu.vector_load_idx %arg24[%add3A_429, %get3A_434] : memref<128x128xf32, #tpu.memory_space<vmem>>[vector<16xi32>, vector<16xi32>], vector<16xf32>,
      %get3A_436 = arith.index_cast %add3A_431 : i32 to index
      %get3A_437 = tpu.vector_load %arg25[%get3A_436] {strides = array<i32>} : memref<528xf32, #tpu.memory_space<vmem>>, vector<16xf32>,
      %add3A_438 = arith.addf %get3A_437, %gather3A : vector<16xf32>
      %add3A_439 = arith.addf %add3A_438, %gather3A_435 : vector<16xf32>
      %add3A_440 = arith.constant 3.500000e+00 : f32
      %add3A_441 = vector.broadcast %add3A_440 : f32 to vector<16xf32>
      %add3A_442 = arith.addf %add3A_439, %add3A_441 : vector<16xf32>
      %swap3A = arith.index_cast %add3A_431 : i32 to index
      %swap3A_443 = tpu.vector_load %arg25[%swap3A] {strides = array<i32>} : memref<528xf32, #tpu.memory_space<vmem>>, vector<16xf32>,
      tpu.vector_store %arg25[%swap3A], %add3A_442 {strides = array<i32>} : memref<528xf32, #tpu.memory_space<vmem>>, vector<16xf32>,
    }
    %scan3A_252 = arith.constant 8 : i32
    %dma_start3A_253 = arith.constant 1 : i32
    %dma_start3A_254 = arith.constant 0 : i32
    %dma_start3A_255 = tpu.memref_slice %arg13[%dma_start3A_253, %dma_start3A_254] : memref<4x128xi32, #tpu.memory_space<vmem>> -> memref<1x128xi32, #tpu.memory_space<vmem>>
    %dma_start3A_256 = tpu.memref_squeeze %dma_start3A_255 : memref<1x128xi32, #tpu.memory_space<vmem>> -> memref<128xi32, #tpu.memory_space<vmem>>
    %dma_start3A_257 = arith.constant 0 : i32
    %dma_start3A_258 = arith.constant 0 : i32
    %dma_start3A_259 = tpu.memref_slice %arg6[%dma_start3A_257, %dma_start3A_258] : memref<7813x128xf32, #tpu.memory_space<hbm>> -> memref<7813x128xf32, #tpu.memory_space<hbm>>
    tpu.enqueue_indirect_dma source(%dma_start3A_259 : memref<7813x128xf32, #tpu.memory_space<hbm>>) target(%arg23 : memref<128x128xf32, #tpu.memory_space<vmem>>) offsets(%dma_start3A_256 : memref<128xi32, #tpu.memory_space<vmem>>) semaphore(%arg29 : memref<!tpu.dma_semaphore, #tpu.memory_space<semaphore_mem>>)
    %dma_start3A_260 = arith.constant 1 : i32
    %dma_start3A_261 = arith.constant 0 : i32
    %dma_start3A_262 = tpu.memref_slice %arg14[%dma_start3A_260, %dma_start3A_261] : memref<4x128xi32, #tpu.memory_space<vmem>> -> memref<1x128xi32, #tpu.memory_space<vmem>>
    %dma_start3A_263 = tpu.memref_squeeze %dma_start3A_262 : memref<1x128xi32, #tpu.memory_space<vmem>> -> memref<128xi32, #tpu.memory_space<vmem>>
    %dma_start3A_264 = arith.constant 0 : i32
    %dma_start3A_265 = arith.constant 0 : i32
    %dma_start3A_266 = tpu.memref_slice %arg7[%dma_start3A_264, %dma_start3A_265] : memref<782x128xf32, #tpu.memory_space<hbm>> -> memref<782x128xf32, #tpu.memory_space<hbm>>
    tpu.enqueue_indirect_dma source(%dma_start3A_266 : memref<782x128xf32, #tpu.memory_space<hbm>>) target(%arg24 : memref<128x128xf32, #tpu.memory_space<vmem>>) offsets(%dma_start3A_263 : memref<128xi32, #tpu.memory_space<vmem>>) semaphore(%arg29 : memref<!tpu.dma_semaphore, #tpu.memory_space<semaphore_mem>>)
    %dma_wait3A_267 = arith.constant 1 : i32
    %dma_wait3A_268 = arith.constant 0 : i32
    %dma_wait3A_269 = tpu.memref_slice %arg11[%dma_wait3A_267, %dma_wait3A_268] : memref<4x128xi32, #tpu.memory_space<vmem>> -> memref<1x128xi32, #tpu.memory_space<vmem>>
    %dma_wait3A_270 = tpu.memref_squeeze %dma_wait3A_269 : memref<1x128xi32, #tpu.memory_space<vmem>> -> memref<128xi32, #tpu.memory_space<vmem>>
    %dma_wait3A_271 = arith.constant 0 : i32
    %dma_wait3A_272 = arith.constant 0 : i32
    %dma_wait3A_273 = tpu.memref_slice %arg4[%dma_wait3A_271, %dma_wait3A_272] : memref<500000x128xf32, #tpu.memory_space<hbm>> -> memref<500000x128xf32, #tpu.memory_space<hbm>>
    tpu.wait_indirect_dma semaphore(%arg28 : memref<!tpu.dma_semaphore, #tpu.memory_space<semaphore_mem>>) src(%dma_wait3A_273 : memref<500000x128xf32, #tpu.memory_space<hbm>>) dst(%arg20 : memref<128x128xf32, #tpu.memory_space<vmem>>)
    %dma_wait3A_274 = arith.constant 1 : i32
    %dma_wait3A_275 = arith.constant 0 : i32
    %dma_wait3A_276 = tpu.memref_slice %arg12[%dma_wait3A_274, %dma_wait3A_275] : memref<4x128xi32, #tpu.memory_space<vmem>> -> memref<1x128xi32, #tpu.memory_space<vmem>>
    %dma_wait3A_277 = tpu.memref_squeeze %dma_wait3A_276 : memref<1x128xi32, #tpu.memory_space<vmem>> -> memref<128xi32, #tpu.memory_space<vmem>>
    %dma_wait3A_278 = arith.constant 0 : i32
    %dma_wait3A_279 = arith.constant 0 : i32
    %dma_wait3A_280 = tpu.memref_slice %arg5[%dma_wait3A_278, %dma_wait3A_279] : memref<50000x128xf32, #tpu.memory_space<hbm>> -> memref<50000x128xf32, #tpu.memory_space<hbm>>
    tpu.wait_indirect_dma semaphore(%arg28 : memref<!tpu.dma_semaphore, #tpu.memory_space<semaphore_mem>>) src(%dma_wait3A_280 : memref<50000x128xf32, #tpu.memory_space<hbm>>) dst(%arg22 : memref<128x128xf32, #tpu.memory_space<vmem>>)
    %scan3A_281 = arith.constant 0 : i32
    %scan3A_282 = arith.constant 128 : i32
    %scan3A_283 = arith.addi %scan3A_281, %scan3A_282 : i32
    %scan3A_284 = arith.constant 1 : i32
    scf.for %scan3A_423 = %scan3A_281 to %scan3A_283 step %scan3A_284  : i32 {
      %mul3A_424 = arith.constant 1 : i32
      %mul3A_425 = arith.muli %scan3A_423, %mul3A_424 : i32
      %add3A_426 = arith.constant 0 : i32
      %add3A_427 = arith.addi %add3A_426, %mul3A_425 : i32
      %add3A_428 = arith.constant 128 : i32
      %add3A_429 = arith.addi %add3A_428, %add3A_427 : i32
      %get3A = arith.index_cast %add3A_429 : i32 to index
      %get3A_430 = tpu.vector_load %arg15[%get3A] {strides = array<i32>} : memref<528xi32, #tpu.memory_space<vmem>>, vector<16xi32>,
      %slice3A = vector.extract_strided_slice %get3A_430 {offsets = [0], sizes = [1], strides = [1]} : vector<16xi32> to vector<1xi32>
      %squeeze3A = vector.extract %slice3A[0] : i32 from vector<1xi32>
      %get3A_431 = arith.index_cast %add3A_429 : i32 to index
      %get3A_432 = tpu.vector_load %arg16[%get3A_431] {strides = array<i32>} : memref<528xi32, #tpu.memory_space<vmem>>, vector<16xi32>,
      %slice3A_433 = vector.extract_strided_slice %get3A_432 {offsets = [0], sizes = [1], strides = [1]} : vector<16xi32> to vector<1xi32>
      %squeeze3A_434 = vector.extract %slice3A_433[0] : i32 from vector<1xi32>
      %get3A_435 = arith.index_cast %add3A_427 : i32 to index
      %get3A_436 = arith.index_cast %squeeze3A : i32 to index
      %get3A_437 = tpu.vector_load %arg20[%get3A_435, %get3A_436] {strides = array<i32>} : memref<128x128xf32, #tpu.memory_space<vmem>>, vector<16xf32>,
      %get3A_438 = arith.index_cast %add3A_427 : i32 to index
      %get3A_439 = arith.index_cast %squeeze3A_434 : i32 to index
      %get3A_440 = tpu.vector_load %arg22[%get3A_438, %get3A_439] {strides = array<i32>} : memref<128x128xf32, #tpu.memory_space<vmem>>, vector<16xf32>,
      %mul3A_441 = arith.mulf %get3A_437, %get3A_440 : vector<16xf32>
      %add3A_442 = arith.constant 16 : i32
      %add3A_443 = arith.addi %squeeze3A, %add3A_442 : i32
      %get3A_444 = arith.index_cast %add3A_427 : i32 to index
      %get3A_445 = arith.index_cast %add3A_443 : i32 to index
      %get3A_446 = tpu.vector_load %arg20[%get3A_444, %get3A_445] {strides = array<i32>} : memref<128x128xf32, #tpu.memory_space<vmem>>, vector<16xf32>,
      %add3A_447 = arith.constant 16 : i32
      %add3A_448 = arith.addi %squeeze3A_434, %add3A_447 : i32
      %get3A_449 = arith.index_cast %add3A_427 : i32 to index
      %get3A_450 = arith.index_cast %add3A_448 : i32 to index
      %get3A_451 = tpu.vector_load %arg22[%get3A_449, %get3A_450] {strides = array<i32>} : memref<128x128xf32, #tpu.memory_space<vmem>>, vector<16xf32>,
      %mul3A_452 = arith.mulf %get3A_446, %get3A_451 : vector<16xf32>
      %add3A_453 = arith.addf %mul3A_441, %mul3A_452 : vector<16xf32>
      %add3A_454 = arith.constant 32 : i32
      %add3A_455 = arith.addi %squeeze3A, %add3A_454 : i32
      %get3A_456 = arith.index_cast %add3A_427 : i32 to index
      %get3A_457 = arith.index_cast %add3A_455 : i32 to index
      %get3A_458 = tpu.vector_load %arg20[%get3A_456, %get3A_457] {strides = array<i32>} : memref<128x128xf32, #tpu.memory_space<vmem>>, vector<16xf32>,
      %add3A_459 = arith.constant 32 : i32
      %add3A_460 = arith.addi %squeeze3A_434, %add3A_459 : i32
      %get3A_461 = arith.index_cast %add3A_427 : i32 to index
      %get3A_462 = arith.index_cast %add3A_460 : i32 to index
      %get3A_463 = tpu.vector_load %arg22[%get3A_461, %get3A_462] {strides = array<i32>} : memref<128x128xf32, #tpu.memory_space<vmem>>, vector<16xf32>,
      %mul3A_464 = arith.mulf %get3A_458, %get3A_463 : vector<16xf32>
      %add3A_465 = arith.addf %add3A_453, %mul3A_464 : vector<16xf32>
      %add3A_466 = arith.constant 48 : i32
      %add3A_467 = arith.addi %squeeze3A, %add3A_466 : i32
      %get3A_468 = arith.index_cast %add3A_427 : i32 to index
      %get3A_469 = arith.index_cast %add3A_467 : i32 to index
      %get3A_470 = tpu.vector_load %arg20[%get3A_468, %get3A_469] {strides = array<i32>} : memref<128x128xf32, #tpu.memory_space<vmem>>, vector<16xf32>,
      %add3A_471 = arith.constant 48 : i32
      %add3A_472 = arith.addi %squeeze3A_434, %add3A_471 : i32
      %get3A_473 = arith.index_cast %add3A_427 : i32 to index
      %get3A_474 = arith.index_cast %add3A_472 : i32 to index
      %get3A_475 = tpu.vector_load %arg22[%get3A_473, %get3A_474] {strides = array<i32>} : memref<128x128xf32, #tpu.memory_space<vmem>>, vector<16xf32>,
      %mul3A_476 = arith.mulf %get3A_470, %get3A_475 : vector<16xf32>
      %add3A_477 = arith.addf %add3A_465, %mul3A_476 : vector<16xf32>
      %broadcast_in_dim3A = arith.constant true
      %broadcast_in_dim3A_478 = vector.broadcast %broadcast_in_dim3A : i1 to vector<16xi1>
      %masked_cumsum3A = tpu.scan <sum>, %add3A_477 masked %broadcast_in_dim3A_478 : vector<16xf32>, vector<16xi1> -> vector<16xf32>
      %swap3A = arith.index_cast %add3A_429 : i32 to index
      %swap3A_479 = tpu.vector_load %arg25[%swap3A] masked %eq3A_186 {strides = array<i32>} : memref<528xf32, #tpu.memory_space<vmem>>, vector<16xf32>, vector<16xi1>
      tpu.vector_store %arg25[%swap3A], %masked_cumsum3A masked %eq3A_186 {strides = array<i32>} : memref<528xf32, #tpu.memory_space<vmem>>, vector<16xf32>, vector<16xi1>
    }
    %scan3A_285 = arith.constant 128 : i32
    %dma_start3A_286 = arith.constant 3 : i32
    %dma_start3A_287 = arith.constant 0 : i32
    %dma_start3A_288 = tpu.memref_slice %arg11[%dma_start3A_286, %dma_start3A_287] : memref<4x128xi32, #tpu.memory_space<vmem>> -> memref<1x128xi32, #tpu.memory_space<vmem>>
    %dma_start3A_289 = tpu.memref_squeeze %dma_start3A_288 : memref<1x128xi32, #tpu.memory_space<vmem>> -> memref<128xi32, #tpu.memory_space<vmem>>
    %dma_start3A_290 = arith.constant 0 : i32
    %dma_start3A_291 = arith.constant 0 : i32
    %dma_start3A_292 = tpu.memref_slice %arg4[%dma_start3A_290, %dma_start3A_291] : memref<500000x128xf32, #tpu.memory_space<hbm>> -> memref<500000x128xf32, #tpu.memory_space<hbm>>
    tpu.enqueue_indirect_dma source(%dma_start3A_292 : memref<500000x128xf32, #tpu.memory_space<hbm>>) target(%arg20 : memref<128x128xf32, #tpu.memory_space<vmem>>) offsets(%dma_start3A_289 : memref<128xi32, #tpu.memory_space<vmem>>) semaphore(%arg28 : memref<!tpu.dma_semaphore, #tpu.memory_space<semaphore_mem>>)
    %dma_start3A_293 = arith.constant 3 : i32
    %dma_start3A_294 = arith.constant 0 : i32
    %dma_start3A_295 = tpu.memref_slice %arg12[%dma_start3A_293, %dma_start3A_294] : memref<4x128xi32, #tpu.memory_space<vmem>> -> memref<1x128xi32, #tpu.memory_space<vmem>>
    %dma_start3A_296 = tpu.memref_squeeze %dma_start3A_295 : memref<1x128xi32, #tpu.memory_space<vmem>> -> memref<128xi32, #tpu.memory_space<vmem>>
    %dma_start3A_297 = arith.constant 0 : i32
    %dma_start3A_298 = arith.constant 0 : i32
    %dma_start3A_299 = tpu.memref_slice %arg5[%dma_start3A_297, %dma_start3A_298] : memref<50000x128xf32, #tpu.memory_space<hbm>> -> memref<50000x128xf32, #tpu.memory_space<hbm>>
    tpu.enqueue_indirect_dma source(%dma_start3A_299 : memref<50000x128xf32, #tpu.memory_space<hbm>>) target(%arg22 : memref<128x128xf32, #tpu.memory_space<vmem>>) offsets(%dma_start3A_296 : memref<128xi32, #tpu.memory_space<vmem>>) semaphore(%arg28 : memref<!tpu.dma_semaphore, #tpu.memory_space<semaphore_mem>>)
    %dma_wait3A_300 = arith.constant 1 : i32
    %dma_wait3A_301 = arith.constant 0 : i32
    %dma_wait3A_302 = tpu.memref_slice %arg13[%dma_wait3A_300, %dma_wait3A_301] : memref<4x128xi32, #tpu.memory_space<vmem>> -> memref<1x128xi32, #tpu.memory_space<vmem>>
    %dma_wait3A_303 = tpu.memref_squeeze %dma_wait3A_302 : memref<1x128xi32, #tpu.memory_space<vmem>> -> memref<128xi32, #tpu.memory_space<vmem>>
    %dma_wait3A_304 = arith.constant 0 : i32
    %dma_wait3A_305 = arith.constant 0 : i32
    %dma_wait3A_306 = tpu.memref_slice %arg6[%dma_wait3A_304, %dma_wait3A_305] : memref<7813x128xf32, #tpu.memory_space<hbm>> -> memref<7813x128xf32, #tpu.memory_space<hbm>>
    tpu.wait_indirect_dma semaphore(%arg29 : memref<!tpu.dma_semaphore, #tpu.memory_space<semaphore_mem>>) src(%dma_wait3A_306 : memref<7813x128xf32, #tpu.memory_space<hbm>>) dst(%arg23 : memref<128x128xf32, #tpu.memory_space<vmem>>)
    %dma_wait3A_307 = arith.constant 1 : i32
    %dma_wait3A_308 = arith.constant 0 : i32
    %dma_wait3A_309 = tpu.memref_slice %arg14[%dma_wait3A_307, %dma_wait3A_308] : memref<4x128xi32, #tpu.memory_space<vmem>> -> memref<1x128xi32, #tpu.memory_space<vmem>>
    %dma_wait3A_310 = tpu.memref_squeeze %dma_wait3A_309 : memref<1x128xi32, #tpu.memory_space<vmem>> -> memref<128xi32, #tpu.memory_space<vmem>>
    %dma_wait3A_311 = arith.constant 0 : i32
    %dma_wait3A_312 = arith.constant 0 : i32
    %dma_wait3A_313 = tpu.memref_slice %arg7[%dma_wait3A_311, %dma_wait3A_312] : memref<782x128xf32, #tpu.memory_space<hbm>> -> memref<782x128xf32, #tpu.memory_space<hbm>>
    tpu.wait_indirect_dma semaphore(%arg29 : memref<!tpu.dma_semaphore, #tpu.memory_space<semaphore_mem>>) src(%dma_wait3A_313 : memref<782x128xf32, #tpu.memory_space<hbm>>) dst(%arg24 : memref<128x128xf32, #tpu.memory_space<vmem>>)
    %scan3A_314 = arith.constant 0 : i32
    %scan3A_315 = arith.constant 8 : i32
    %scan3A_316 = arith.addi %scan3A_314, %scan3A_315 : i32
    %scan3A_317 = arith.constant 1 : i32
    scf.for %scan3A_423 = %scan3A_314 to %scan3A_316 step %scan3A_317  : i32 {
      %mul3A_424 = arith.constant 16 : i32
      %mul3A_425 = arith.muli %scan3A_423, %mul3A_424 : i32
      %add3A_426 = arith.constant 0 : i32
      %add3A_427 = arith.addi %add3A_426, %mul3A_425 : i32
      %add3A_428 = vector.broadcast %add3A_427 : i32 to vector<16xi32>
      %add3A_429 = arith.addi %iota3A, %add3A_428 : vector<16xi32>
      %add3A_430 = arith.constant 128 : i32
      %add3A_431 = arith.addi %add3A_430, %add3A_427 : i32
      %get3A = arith.index_cast %add3A_431 : i32 to index
      %get3A_432 = tpu.vector_load %arg17[%get3A] {strides = array<i32>} : memref<512xi32, #tpu.memory_space<vmem>>, vector<16xi32>,
      %gather3A = tpu.vector_load_idx %arg23[%add3A_429, %get3A_432] : memref<128x128xf32, #tpu.memory_space<vmem>>[vector<16xi32>, vector<16xi32>], vector<16xf32>,
      %get3A_433 = arith.index_cast %add3A_431 : i32 to index
      %get3A_434 = tpu.vector_load %arg18[%get3A_433] {strides = array<i32>} : memref<512xi32, #tpu.memory_space<vmem>>, vector<16xi32>,
      %gather3A_435 = tpu.vector_load_idx %arg24[%add3A_429, %get3A_434] : memref<128x128xf32, #tpu.memory_space<vmem>>[vector<16xi32>, vector<16xi32>], vector<16xf32>,
      %get3A_436 = arith.index_cast %add3A_431 : i32 to index
      %get3A_437 = tpu.vector_load %arg25[%get3A_436] {strides = array<i32>} : memref<528xf32, #tpu.memory_space<vmem>>, vector<16xf32>,
      %add3A_438 = arith.addf %get3A_437, %gather3A : vector<16xf32>
      %add3A_439 = arith.addf %add3A_438, %gather3A_435 : vector<16xf32>
      %add3A_440 = arith.constant 3.500000e+00 : f32
      %add3A_441 = vector.broadcast %add3A_440 : f32 to vector<16xf32>
      %add3A_442 = arith.addf %add3A_439, %add3A_441 : vector<16xf32>
      %swap3A = arith.index_cast %add3A_431 : i32 to index
      %swap3A_443 = tpu.vector_load %arg25[%swap3A] {strides = array<i32>} : memref<528xf32, #tpu.memory_space<vmem>>, vector<16xf32>,
      tpu.vector_store %arg25[%swap3A], %add3A_442 {strides = array<i32>} : memref<528xf32, #tpu.memory_space<vmem>>, vector<16xf32>,
    }
    %scan3A_318 = arith.constant 8 : i32
    %dma_start3A_319 = arith.constant 2 : i32
    %dma_start3A_320 = arith.constant 0 : i32
    %dma_start3A_321 = tpu.memref_slice %arg13[%dma_start3A_319, %dma_start3A_320] : memref<4x128xi32, #tpu.memory_space<vmem>> -> memref<1x128xi32, #tpu.memory_space<vmem>>
    %dma_start3A_322 = tpu.memref_squeeze %dma_start3A_321 : memref<1x128xi32, #tpu.memory_space<vmem>> -> memref<128xi32, #tpu.memory_space<vmem>>
    %dma_start3A_323 = arith.constant 0 : i32
    %dma_start3A_324 = arith.constant 0 : i32
    %dma_start3A_325 = tpu.memref_slice %arg6[%dma_start3A_323, %dma_start3A_324] : memref<7813x128xf32, #tpu.memory_space<hbm>> -> memref<7813x128xf32, #tpu.memory_space<hbm>>
    tpu.enqueue_indirect_dma source(%dma_start3A_325 : memref<7813x128xf32, #tpu.memory_space<hbm>>) target(%arg23 : memref<128x128xf32, #tpu.memory_space<vmem>>) offsets(%dma_start3A_322 : memref<128xi32, #tpu.memory_space<vmem>>) semaphore(%arg29 : memref<!tpu.dma_semaphore, #tpu.memory_space<semaphore_mem>>)
    %dma_start3A_326 = arith.constant 2 : i32
    %dma_start3A_327 = arith.constant 0 : i32
    %dma_start3A_328 = tpu.memref_slice %arg14[%dma_start3A_326, %dma_start3A_327] : memref<4x128xi32, #tpu.memory_space<vmem>> -> memref<1x128xi32, #tpu.memory_space<vmem>>
    %dma_start3A_329 = tpu.memref_squeeze %dma_start3A_328 : memref<1x128xi32, #tpu.memory_space<vmem>> -> memref<128xi32, #tpu.memory_space<vmem>>
    %dma_start3A_330 = arith.constant 0 : i32
    %dma_start3A_331 = arith.constant 0 : i32
    %dma_start3A_332 = tpu.memref_slice %arg7[%dma_start3A_330, %dma_start3A_331] : memref<782x128xf32, #tpu.memory_space<hbm>> -> memref<782x128xf32, #tpu.memory_space<hbm>>
    tpu.enqueue_indirect_dma source(%dma_start3A_332 : memref<782x128xf32, #tpu.memory_space<hbm>>) target(%arg24 : memref<128x128xf32, #tpu.memory_space<vmem>>) offsets(%dma_start3A_329 : memref<128xi32, #tpu.memory_space<vmem>>) semaphore(%arg29 : memref<!tpu.dma_semaphore, #tpu.memory_space<semaphore_mem>>)
    %dma_wait3A_333 = arith.constant 2 : i32
    %dma_wait3A_334 = arith.constant 0 : i32
    %dma_wait3A_335 = tpu.memref_slice %arg11[%dma_wait3A_333, %dma_wait3A_334] : memref<4x128xi32, #tpu.memory_space<vmem>> -> memref<1x128xi32, #tpu.memory_space<vmem>>
    %dma_wait3A_336 = tpu.memref_squeeze %dma_wait3A_335 : memref<1x128xi32, #tpu.memory_space<vmem>> -> memref<128xi32, #tpu.memory_space<vmem>>
    %dma_wait3A_337 = arith.constant 0 : i32
    %dma_wait3A_338 = arith.constant 0 : i32
    %dma_wait3A_339 = tpu.memref_slice %arg4[%dma_wait3A_337, %dma_wait3A_338] : memref<500000x128xf32, #tpu.memory_space<hbm>> -> memref<500000x128xf32, #tpu.memory_space<hbm>>
    tpu.wait_indirect_dma semaphore(%arg27 : memref<!tpu.dma_semaphore, #tpu.memory_space<semaphore_mem>>) src(%dma_wait3A_339 : memref<500000x128xf32, #tpu.memory_space<hbm>>) dst(%arg19 : memref<128x128xf32, #tpu.memory_space<vmem>>)
    %dma_wait3A_340 = arith.constant 2 : i32
    %dma_wait3A_341 = arith.constant 0 : i32
    %dma_wait3A_342 = tpu.memref_slice %arg12[%dma_wait3A_340, %dma_wait3A_341] : memref<4x128xi32, #tpu.memory_space<vmem>> -> memref<1x128xi32, #tpu.memory_space<vmem>>
    %dma_wait3A_343 = tpu.memref_squeeze %dma_wait3A_342 : memref<1x128xi32, #tpu.memory_space<vmem>> -> memref<128xi32, #tpu.memory_space<vmem>>
    %dma_wait3A_344 = arith.constant 0 : i32
    %dma_wait3A_345 = arith.constant 0 : i32
    %dma_wait3A_346 = tpu.memref_slice %arg5[%dma_wait3A_344, %dma_wait3A_345] : memref<50000x128xf32, #tpu.memory_space<hbm>> -> memref<50000x128xf32, #tpu.memory_space<hbm>>
    tpu.wait_indirect_dma semaphore(%arg27 : memref<!tpu.dma_semaphore, #tpu.memory_space<semaphore_mem>>) src(%dma_wait3A_346 : memref<50000x128xf32, #tpu.memory_space<hbm>>) dst(%arg21 : memref<128x128xf32, #tpu.memory_space<vmem>>)
    %scan3A_347 = arith.constant 0 : i32
    %scan3A_348 = arith.constant 128 : i32
    %scan3A_349 = arith.addi %scan3A_347, %scan3A_348 : i32
    %scan3A_350 = arith.constant 1 : i32
    scf.for %scan3A_423 = %scan3A_347 to %scan3A_349 step %scan3A_350  : i32 {
      %mul3A_424 = arith.constant 1 : i32
      %mul3A_425 = arith.muli %scan3A_423, %mul3A_424 : i32
      %add3A_426 = arith.constant 0 : i32
      %add3A_427 = arith.addi %add3A_426, %mul3A_425 : i32
      %add3A_428 = arith.constant 256 : i32
      %add3A_429 = arith.addi %add3A_428, %add3A_427 : i32
      %get3A = arith.index_cast %add3A_429 : i32 to index
      %get3A_430 = tpu.vector_load %arg15[%get3A] {strides = array<i32>} : memref<528xi32, #tpu.memory_space<vmem>>, vector<16xi32>,
      %slice3A = vector.extract_strided_slice %get3A_430 {offsets = [0], sizes = [1], strides = [1]} : vector<16xi32> to vector<1xi32>
      %squeeze3A = vector.extract %slice3A[0] : i32 from vector<1xi32>
      %get3A_431 = arith.index_cast %add3A_429 : i32 to index
      %get3A_432 = tpu.vector_load %arg16[%get3A_431] {strides = array<i32>} : memref<528xi32, #tpu.memory_space<vmem>>, vector<16xi32>,
      %slice3A_433 = vector.extract_strided_slice %get3A_432 {offsets = [0], sizes = [1], strides = [1]} : vector<16xi32> to vector<1xi32>
      %squeeze3A_434 = vector.extract %slice3A_433[0] : i32 from vector<1xi32>
      %get3A_435 = arith.index_cast %add3A_427 : i32 to index
      %get3A_436 = arith.index_cast %squeeze3A : i32 to index
      %get3A_437 = tpu.vector_load %arg19[%get3A_435, %get3A_436] {strides = array<i32>} : memref<128x128xf32, #tpu.memory_space<vmem>>, vector<16xf32>,
      %get3A_438 = arith.index_cast %add3A_427 : i32 to index
      %get3A_439 = arith.index_cast %squeeze3A_434 : i32 to index
      %get3A_440 = tpu.vector_load %arg21[%get3A_438, %get3A_439] {strides = array<i32>} : memref<128x128xf32, #tpu.memory_space<vmem>>, vector<16xf32>,
      %mul3A_441 = arith.mulf %get3A_437, %get3A_440 : vector<16xf32>
      %add3A_442 = arith.constant 16 : i32
      %add3A_443 = arith.addi %squeeze3A, %add3A_442 : i32
      %get3A_444 = arith.index_cast %add3A_427 : i32 to index
      %get3A_445 = arith.index_cast %add3A_443 : i32 to index
      %get3A_446 = tpu.vector_load %arg19[%get3A_444, %get3A_445] {strides = array<i32>} : memref<128x128xf32, #tpu.memory_space<vmem>>, vector<16xf32>,
      %add3A_447 = arith.constant 16 : i32
      %add3A_448 = arith.addi %squeeze3A_434, %add3A_447 : i32
      %get3A_449 = arith.index_cast %add3A_427 : i32 to index
      %get3A_450 = arith.index_cast %add3A_448 : i32 to index
      %get3A_451 = tpu.vector_load %arg21[%get3A_449, %get3A_450] {strides = array<i32>} : memref<128x128xf32, #tpu.memory_space<vmem>>, vector<16xf32>,
      %mul3A_452 = arith.mulf %get3A_446, %get3A_451 : vector<16xf32>
      %add3A_453 = arith.addf %mul3A_441, %mul3A_452 : vector<16xf32>
      %add3A_454 = arith.constant 32 : i32
      %add3A_455 = arith.addi %squeeze3A, %add3A_454 : i32
      %get3A_456 = arith.index_cast %add3A_427 : i32 to index
      %get3A_457 = arith.index_cast %add3A_455 : i32 to index
      %get3A_458 = tpu.vector_load %arg19[%get3A_456, %get3A_457] {strides = array<i32>} : memref<128x128xf32, #tpu.memory_space<vmem>>, vector<16xf32>,
      %add3A_459 = arith.constant 32 : i32
      %add3A_460 = arith.addi %squeeze3A_434, %add3A_459 : i32
      %get3A_461 = arith.index_cast %add3A_427 : i32 to index
      %get3A_462 = arith.index_cast %add3A_460 : i32 to index
      %get3A_463 = tpu.vector_load %arg21[%get3A_461, %get3A_462] {strides = array<i32>} : memref<128x128xf32, #tpu.memory_space<vmem>>, vector<16xf32>,
      %mul3A_464 = arith.mulf %get3A_458, %get3A_463 : vector<16xf32>
      %add3A_465 = arith.addf %add3A_453, %mul3A_464 : vector<16xf32>
      %add3A_466 = arith.constant 48 : i32
      %add3A_467 = arith.addi %squeeze3A, %add3A_466 : i32
      %get3A_468 = arith.index_cast %add3A_427 : i32 to index
      %get3A_469 = arith.index_cast %add3A_467 : i32 to index
      %get3A_470 = tpu.vector_load %arg19[%get3A_468, %get3A_469] {strides = array<i32>} : memref<128x128xf32, #tpu.memory_space<vmem>>, vector<16xf32>,
      %add3A_471 = arith.constant 48 : i32
      %add3A_472 = arith.addi %squeeze3A_434, %add3A_471 : i32
      %get3A_473 = arith.index_cast %add3A_427 : i32 to index
      %get3A_474 = arith.index_cast %add3A_472 : i32 to index
      %get3A_475 = tpu.vector_load %arg21[%get3A_473, %get3A_474] {strides = array<i32>} : memref<128x128xf32, #tpu.memory_space<vmem>>, vector<16xf32>,
      %mul3A_476 = arith.mulf %get3A_470, %get3A_475 : vector<16xf32>
      %add3A_477 = arith.addf %add3A_465, %mul3A_476 : vector<16xf32>
      %broadcast_in_dim3A = arith.constant true
      %broadcast_in_dim3A_478 = vector.broadcast %broadcast_in_dim3A : i1 to vector<16xi1>
      %masked_cumsum3A = tpu.scan <sum>, %add3A_477 masked %broadcast_in_dim3A_478 : vector<16xf32>, vector<16xi1> -> vector<16xf32>
      %swap3A = arith.index_cast %add3A_429 : i32 to index
      %swap3A_479 = tpu.vector_load %arg25[%swap3A] masked %eq3A_186 {strides = array<i32>} : memref<528xf32, #tpu.memory_space<vmem>>, vector<16xf32>, vector<16xi1>
      tpu.vector_store %arg25[%swap3A], %masked_cumsum3A masked %eq3A_186 {strides = array<i32>} : memref<528xf32, #tpu.memory_space<vmem>>, vector<16xf32>, vector<16xi1>
    }
    %scan3A_351 = arith.constant 128 : i32
    %dma_wait3A_352 = arith.constant 2 : i32
    %dma_wait3A_353 = arith.constant 0 : i32
    %dma_wait3A_354 = tpu.memref_slice %arg13[%dma_wait3A_352, %dma_wait3A_353] : memref<4x128xi32, #tpu.memory_space<vmem>> -> memref<1x128xi32, #tpu.memory_space<vmem>>
    %dma_wait3A_355 = tpu.memref_squeeze %dma_wait3A_354 : memref<1x128xi32, #tpu.memory_space<vmem>> -> memref<128xi32, #tpu.memory_space<vmem>>
    %dma_wait3A_356 = arith.constant 0 : i32
    %dma_wait3A_357 = arith.constant 0 : i32
    %dma_wait3A_358 = tpu.memref_slice %arg6[%dma_wait3A_356, %dma_wait3A_357] : memref<7813x128xf32, #tpu.memory_space<hbm>> -> memref<7813x128xf32, #tpu.memory_space<hbm>>
    tpu.wait_indirect_dma semaphore(%arg29 : memref<!tpu.dma_semaphore, #tpu.memory_space<semaphore_mem>>) src(%dma_wait3A_358 : memref<7813x128xf32, #tpu.memory_space<hbm>>) dst(%arg23 : memref<128x128xf32, #tpu.memory_space<vmem>>)
    %dma_wait3A_359 = arith.constant 2 : i32
    %dma_wait3A_360 = arith.constant 0 : i32
    %dma_wait3A_361 = tpu.memref_slice %arg14[%dma_wait3A_359, %dma_wait3A_360] : memref<4x128xi32, #tpu.memory_space<vmem>> -> memref<1x128xi32, #tpu.memory_space<vmem>>
    %dma_wait3A_362 = tpu.memref_squeeze %dma_wait3A_361 : memref<1x128xi32, #tpu.memory_space<vmem>> -> memref<128xi32, #tpu.memory_space<vmem>>
    %dma_wait3A_363 = arith.constant 0 : i32
    %dma_wait3A_364 = arith.constant 0 : i32
    %dma_wait3A_365 = tpu.memref_slice %arg7[%dma_wait3A_363, %dma_wait3A_364] : memref<782x128xf32, #tpu.memory_space<hbm>> -> memref<782x128xf32, #tpu.memory_space<hbm>>
    tpu.wait_indirect_dma semaphore(%arg29 : memref<!tpu.dma_semaphore, #tpu.memory_space<semaphore_mem>>) src(%dma_wait3A_365 : memref<782x128xf32, #tpu.memory_space<hbm>>) dst(%arg24 : memref<128x128xf32, #tpu.memory_space<vmem>>)
    %scan3A_366 = arith.constant 0 : i32
    %scan3A_367 = arith.constant 8 : i32
    %scan3A_368 = arith.addi %scan3A_366, %scan3A_367 : i32
    %scan3A_369 = arith.constant 1 : i32
    scf.for %scan3A_423 = %scan3A_366 to %scan3A_368 step %scan3A_369  : i32 {
      %mul3A_424 = arith.constant 16 : i32
      %mul3A_425 = arith.muli %scan3A_423, %mul3A_424 : i32
      %add3A_426 = arith.constant 0 : i32
      %add3A_427 = arith.addi %add3A_426, %mul3A_425 : i32
      %add3A_428 = vector.broadcast %add3A_427 : i32 to vector<16xi32>
      %add3A_429 = arith.addi %iota3A, %add3A_428 : vector<16xi32>
      %add3A_430 = arith.constant 256 : i32
      %add3A_431 = arith.addi %add3A_430, %add3A_427 : i32
      %get3A = arith.index_cast %add3A_431 : i32 to index
      %get3A_432 = tpu.vector_load %arg17[%get3A] {strides = array<i32>} : memref<512xi32, #tpu.memory_space<vmem>>, vector<16xi32>,
      %gather3A = tpu.vector_load_idx %arg23[%add3A_429, %get3A_432] : memref<128x128xf32, #tpu.memory_space<vmem>>[vector<16xi32>, vector<16xi32>], vector<16xf32>,
      %get3A_433 = arith.index_cast %add3A_431 : i32 to index
      %get3A_434 = tpu.vector_load %arg18[%get3A_433] {strides = array<i32>} : memref<512xi32, #tpu.memory_space<vmem>>, vector<16xi32>,
      %gather3A_435 = tpu.vector_load_idx %arg24[%add3A_429, %get3A_434] : memref<128x128xf32, #tpu.memory_space<vmem>>[vector<16xi32>, vector<16xi32>], vector<16xf32>,
      %get3A_436 = arith.index_cast %add3A_431 : i32 to index
      %get3A_437 = tpu.vector_load %arg25[%get3A_436] {strides = array<i32>} : memref<528xf32, #tpu.memory_space<vmem>>, vector<16xf32>,
      %add3A_438 = arith.addf %get3A_437, %gather3A : vector<16xf32>
      %add3A_439 = arith.addf %add3A_438, %gather3A_435 : vector<16xf32>
      %add3A_440 = arith.constant 3.500000e+00 : f32
      %add3A_441 = vector.broadcast %add3A_440 : f32 to vector<16xf32>
      %add3A_442 = arith.addf %add3A_439, %add3A_441 : vector<16xf32>
      %swap3A = arith.index_cast %add3A_431 : i32 to index
      %swap3A_443 = tpu.vector_load %arg25[%swap3A] {strides = array<i32>} : memref<528xf32, #tpu.memory_space<vmem>>, vector<16xf32>,
      tpu.vector_store %arg25[%swap3A], %add3A_442 {strides = array<i32>} : memref<528xf32, #tpu.memory_space<vmem>>, vector<16xf32>,
    }
    %scan3A_370 = arith.constant 8 : i32
    %dma_start3A_371 = arith.constant 3 : i32
    %dma_start3A_372 = arith.constant 0 : i32
    %dma_start3A_373 = tpu.memref_slice %arg13[%dma_start3A_371, %dma_start3A_372] : memref<4x128xi32, #tpu.memory_space<vmem>> -> memref<1x128xi32, #tpu.memory_space<vmem>>
    %dma_start3A_374 = tpu.memref_squeeze %dma_start3A_373 : memref<1x128xi32, #tpu.memory_space<vmem>> -> memref<128xi32, #tpu.memory_space<vmem>>
    %dma_start3A_375 = arith.constant 0 : i32
    %dma_start3A_376 = arith.constant 0 : i32
    %dma_start3A_377 = tpu.memref_slice %arg6[%dma_start3A_375, %dma_start3A_376] : memref<7813x128xf32, #tpu.memory_space<hbm>> -> memref<7813x128xf32, #tpu.memory_space<hbm>>
    tpu.enqueue_indirect_dma source(%dma_start3A_377 : memref<7813x128xf32, #tpu.memory_space<hbm>>) target(%arg23 : memref<128x128xf32, #tpu.memory_space<vmem>>) offsets(%dma_start3A_374 : memref<128xi32, #tpu.memory_space<vmem>>) semaphore(%arg29 : memref<!tpu.dma_semaphore, #tpu.memory_space<semaphore_mem>>)
    %dma_start3A_378 = arith.constant 3 : i32
    %dma_start3A_379 = arith.constant 0 : i32
    %dma_start3A_380 = tpu.memref_slice %arg14[%dma_start3A_378, %dma_start3A_379] : memref<4x128xi32, #tpu.memory_space<vmem>> -> memref<1x128xi32, #tpu.memory_space<vmem>>
    %dma_start3A_381 = tpu.memref_squeeze %dma_start3A_380 : memref<1x128xi32, #tpu.memory_space<vmem>> -> memref<128xi32, #tpu.memory_space<vmem>>
    %dma_start3A_382 = arith.constant 0 : i32
    %dma_start3A_383 = arith.constant 0 : i32
    %dma_start3A_384 = tpu.memref_slice %arg7[%dma_start3A_382, %dma_start3A_383] : memref<782x128xf32, #tpu.memory_space<hbm>> -> memref<782x128xf32, #tpu.memory_space<hbm>>
    tpu.enqueue_indirect_dma source(%dma_start3A_384 : memref<782x128xf32, #tpu.memory_space<hbm>>) target(%arg24 : memref<128x128xf32, #tpu.memory_space<vmem>>) offsets(%dma_start3A_381 : memref<128xi32, #tpu.memory_space<vmem>>) semaphore(%arg29 : memref<!tpu.dma_semaphore, #tpu.memory_space<semaphore_mem>>)
    %dma_wait3A_385 = arith.constant 3 : i32
    %dma_wait3A_386 = arith.constant 0 : i32
    %dma_wait3A_387 = tpu.memref_slice %arg11[%dma_wait3A_385, %dma_wait3A_386] : memref<4x128xi32, #tpu.memory_space<vmem>> -> memref<1x128xi32, #tpu.memory_space<vmem>>
    %dma_wait3A_388 = tpu.memref_squeeze %dma_wait3A_387 : memref<1x128xi32, #tpu.memory_space<vmem>> -> memref<128xi32, #tpu.memory_space<vmem>>
    %dma_wait3A_389 = arith.constant 0 : i32
    %dma_wait3A_390 = arith.constant 0 : i32
    %dma_wait3A_391 = tpu.memref_slice %arg4[%dma_wait3A_389, %dma_wait3A_390] : memref<500000x128xf32, #tpu.memory_space<hbm>> -> memref<500000x128xf32, #tpu.memory_space<hbm>>
    tpu.wait_indirect_dma semaphore(%arg28 : memref<!tpu.dma_semaphore, #tpu.memory_space<semaphore_mem>>) src(%dma_wait3A_391 : memref<500000x128xf32, #tpu.memory_space<hbm>>) dst(%arg20 : memref<128x128xf32, #tpu.memory_space<vmem>>)
    %dma_wait3A_392 = arith.constant 3 : i32
    %dma_wait3A_393 = arith.constant 0 : i32
    %dma_wait3A_394 = tpu.memref_slice %arg12[%dma_wait3A_392, %dma_wait3A_393] : memref<4x128xi32, #tpu.memory_space<vmem>> -> memref<1x128xi32, #tpu.memory_space<vmem>>
    %dma_wait3A_395 = tpu.memref_squeeze %dma_wait3A_394 : memref<1x128xi32, #tpu.memory_space<vmem>> -> memref<128xi32, #tpu.memory_space<vmem>>
    %dma_wait3A_396 = arith.constant 0 : i32
    %dma_wait3A_397 = arith.constant 0 : i32
    %dma_wait3A_398 = tpu.memref_slice %arg5[%dma_wait3A_396, %dma_wait3A_397] : memref<50000x128xf32, #tpu.memory_space<hbm>> -> memref<50000x128xf32, #tpu.memory_space<hbm>>
    tpu.wait_indirect_dma semaphore(%arg28 : memref<!tpu.dma_semaphore, #tpu.memory_space<semaphore_mem>>) src(%dma_wait3A_398 : memref<50000x128xf32, #tpu.memory_space<hbm>>) dst(%arg22 : memref<128x128xf32, #tpu.memory_space<vmem>>)
    %scan3A_399 = arith.constant 0 : i32
    %scan3A_400 = arith.constant 128 : i32
    %scan3A_401 = arith.addi %scan3A_399, %scan3A_400 : i32
    %scan3A_402 = arith.constant 1 : i32
    scf.for %scan3A_423 = %scan3A_399 to %scan3A_401 step %scan3A_402  : i32 {
      %mul3A_424 = arith.constant 1 : i32
      %mul3A_425 = arith.muli %scan3A_423, %mul3A_424 : i32
      %add3A_426 = arith.constant 0 : i32
      %add3A_427 = arith.addi %add3A_426, %mul3A_425 : i32
      %add3A_428 = arith.constant 384 : i32
      %add3A_429 = arith.addi %add3A_428, %add3A_427 : i32
      %get3A = arith.index_cast %add3A_429 : i32 to index
      %get3A_430 = tpu.vector_load %arg15[%get3A] {strides = array<i32>} : memref<528xi32, #tpu.memory_space<vmem>>, vector<16xi32>,
      %slice3A = vector.extract_strided_slice %get3A_430 {offsets = [0], sizes = [1], strides = [1]} : vector<16xi32> to vector<1xi32>
      %squeeze3A = vector.extract %slice3A[0] : i32 from vector<1xi32>
      %get3A_431 = arith.index_cast %add3A_429 : i32 to index
      %get3A_432 = tpu.vector_load %arg16[%get3A_431] {strides = array<i32>} : memref<528xi32, #tpu.memory_space<vmem>>, vector<16xi32>,
      %slice3A_433 = vector.extract_strided_slice %get3A_432 {offsets = [0], sizes = [1], strides = [1]} : vector<16xi32> to vector<1xi32>
      %squeeze3A_434 = vector.extract %slice3A_433[0] : i32 from vector<1xi32>
      %get3A_435 = arith.index_cast %add3A_427 : i32 to index
      %get3A_436 = arith.index_cast %squeeze3A : i32 to index
      %get3A_437 = tpu.vector_load %arg20[%get3A_435, %get3A_436] {strides = array<i32>} : memref<128x128xf32, #tpu.memory_space<vmem>>, vector<16xf32>,
      %get3A_438 = arith.index_cast %add3A_427 : i32 to index
      %get3A_439 = arith.index_cast %squeeze3A_434 : i32 to index
      %get3A_440 = tpu.vector_load %arg22[%get3A_438, %get3A_439] {strides = array<i32>} : memref<128x128xf32, #tpu.memory_space<vmem>>, vector<16xf32>,
      %mul3A_441 = arith.mulf %get3A_437, %get3A_440 : vector<16xf32>
      %add3A_442 = arith.constant 16 : i32
      %add3A_443 = arith.addi %squeeze3A, %add3A_442 : i32
      %get3A_444 = arith.index_cast %add3A_427 : i32 to index
      %get3A_445 = arith.index_cast %add3A_443 : i32 to index
      %get3A_446 = tpu.vector_load %arg20[%get3A_444, %get3A_445] {strides = array<i32>} : memref<128x128xf32, #tpu.memory_space<vmem>>, vector<16xf32>,
      %add3A_447 = arith.constant 16 : i32
      %add3A_448 = arith.addi %squeeze3A_434, %add3A_447 : i32
      %get3A_449 = arith.index_cast %add3A_427 : i32 to index
      %get3A_450 = arith.index_cast %add3A_448 : i32 to index
      %get3A_451 = tpu.vector_load %arg22[%get3A_449, %get3A_450] {strides = array<i32>} : memref<128x128xf32, #tpu.memory_space<vmem>>, vector<16xf32>,
      %mul3A_452 = arith.mulf %get3A_446, %get3A_451 : vector<16xf32>
      %add3A_453 = arith.addf %mul3A_441, %mul3A_452 : vector<16xf32>
      %add3A_454 = arith.constant 32 : i32
      %add3A_455 = arith.addi %squeeze3A, %add3A_454 : i32
      %get3A_456 = arith.index_cast %add3A_427 : i32 to index
      %get3A_457 = arith.index_cast %add3A_455 : i32 to index
      %get3A_458 = tpu.vector_load %arg20[%get3A_456, %get3A_457] {strides = array<i32>} : memref<128x128xf32, #tpu.memory_space<vmem>>, vector<16xf32>,
      %add3A_459 = arith.constant 32 : i32
      %add3A_460 = arith.addi %squeeze3A_434, %add3A_459 : i32
      %get3A_461 = arith.index_cast %add3A_427 : i32 to index
      %get3A_462 = arith.index_cast %add3A_460 : i32 to index
      %get3A_463 = tpu.vector_load %arg22[%get3A_461, %get3A_462] {strides = array<i32>} : memref<128x128xf32, #tpu.memory_space<vmem>>, vector<16xf32>,
      %mul3A_464 = arith.mulf %get3A_458, %get3A_463 : vector<16xf32>
      %add3A_465 = arith.addf %add3A_453, %mul3A_464 : vector<16xf32>
      %add3A_466 = arith.constant 48 : i32
      %add3A_467 = arith.addi %squeeze3A, %add3A_466 : i32
      %get3A_468 = arith.index_cast %add3A_427 : i32 to index
      %get3A_469 = arith.index_cast %add3A_467 : i32 to index
      %get3A_470 = tpu.vector_load %arg20[%get3A_468, %get3A_469] {strides = array<i32>} : memref<128x128xf32, #tpu.memory_space<vmem>>, vector<16xf32>,
      %add3A_471 = arith.constant 48 : i32
      %add3A_472 = arith.addi %squeeze3A_434, %add3A_471 : i32
      %get3A_473 = arith.index_cast %add3A_427 : i32 to index
      %get3A_474 = arith.index_cast %add3A_472 : i32 to index
      %get3A_475 = tpu.vector_load %arg22[%get3A_473, %get3A_474] {strides = array<i32>} : memref<128x128xf32, #tpu.memory_space<vmem>>, vector<16xf32>,
      %mul3A_476 = arith.mulf %get3A_470, %get3A_475 : vector<16xf32>
      %add3A_477 = arith.addf %add3A_465, %mul3A_476 : vector<16xf32>
      %broadcast_in_dim3A = arith.constant true
      %broadcast_in_dim3A_478 = vector.broadcast %broadcast_in_dim3A : i1 to vector<16xi1>
      %masked_cumsum3A = tpu.scan <sum>, %add3A_477 masked %broadcast_in_dim3A_478 : vector<16xf32>, vector<16xi1> -> vector<16xf32>
      %swap3A = arith.index_cast %add3A_429 : i32 to index
      %swap3A_479 = tpu.vector_load %arg25[%swap3A] masked %eq3A_186 {strides = array<i32>} : memref<528xf32, #tpu.memory_space<vmem>>, vector<16xf32>, vector<16xi1>
      tpu.vector_store %arg25[%swap3A], %masked_cumsum3A masked %eq3A_186 {strides = array<i32>} : memref<528xf32, #tpu.memory_space<vmem>>, vector<16xf32>, vector<16xi1>
    }
    %scan3A_403 = arith.constant 128 : i32
    %dma_wait3A_404 = arith.constant 3 : i32
    %dma_wait3A_405 = arith.constant 0 : i32
    %dma_wait3A_406 = tpu.memref_slice %arg13[%dma_wait3A_404, %dma_wait3A_405] : memref<4x128xi32, #tpu.memory_space<vmem>> -> memref<1x128xi32, #tpu.memory_space<vmem>>
    %dma_wait3A_407 = tpu.memref_squeeze %dma_wait3A_406 : memref<1x128xi32, #tpu.memory_space<vmem>> -> memref<128xi32, #tpu.memory_space<vmem>>
    %dma_wait3A_408 = arith.constant 0 : i32
    %dma_wait3A_409 = arith.constant 0 : i32
    %dma_wait3A_410 = tpu.memref_slice %arg6[%dma_wait3A_408, %dma_wait3A_409] : memref<7813x128xf32, #tpu.memory_space<hbm>> -> memref<7813x128xf32, #tpu.memory_space<hbm>>
    tpu.wait_indirect_dma semaphore(%arg29 : memref<!tpu.dma_semaphore, #tpu.memory_space<semaphore_mem>>) src(%dma_wait3A_410 : memref<7813x128xf32, #tpu.memory_space<hbm>>) dst(%arg23 : memref<128x128xf32, #tpu.memory_space<vmem>>)
    %dma_wait3A_411 = arith.constant 3 : i32
    %dma_wait3A_412 = arith.constant 0 : i32
    %dma_wait3A_413 = tpu.memref_slice %arg14[%dma_wait3A_411, %dma_wait3A_412] : memref<4x128xi32, #tpu.memory_space<vmem>> -> memref<1x128xi32, #tpu.memory_space<vmem>>
    %dma_wait3A_414 = tpu.memref_squeeze %dma_wait3A_413 : memref<1x128xi32, #tpu.memory_space<vmem>> -> memref<128xi32, #tpu.memory_space<vmem>>
    %dma_wait3A_415 = arith.constant 0 : i32
    %dma_wait3A_416 = arith.constant 0 : i32
    %dma_wait3A_417 = tpu.memref_slice %arg7[%dma_wait3A_415, %dma_wait3A_416] : memref<782x128xf32, #tpu.memory_space<hbm>> -> memref<782x128xf32, #tpu.memory_space<hbm>>
    tpu.wait_indirect_dma semaphore(%arg29 : memref<!tpu.dma_semaphore, #tpu.memory_space<semaphore_mem>>) src(%dma_wait3A_417 : memref<782x128xf32, #tpu.memory_space<hbm>>) dst(%arg24 : memref<128x128xf32, #tpu.memory_space<vmem>>)
    %scan3A_418 = arith.constant 0 : i32
    %scan3A_419 = arith.constant 8 : i32
    %scan3A_420 = arith.addi %scan3A_418, %scan3A_419 : i32
    %scan3A_421 = arith.constant 1 : i32
    scf.for %scan3A_423 = %scan3A_418 to %scan3A_420 step %scan3A_421  : i32 {
      %mul3A_424 = arith.constant 16 : i32
      %mul3A_425 = arith.muli %scan3A_423, %mul3A_424 : i32
      %add3A_426 = arith.constant 0 : i32
      %add3A_427 = arith.addi %add3A_426, %mul3A_425 : i32
      %add3A_428 = vector.broadcast %add3A_427 : i32 to vector<16xi32>
      %add3A_429 = arith.addi %iota3A, %add3A_428 : vector<16xi32>
      %add3A_430 = arith.constant 384 : i32
      %add3A_431 = arith.addi %add3A_430, %add3A_427 : i32
      %get3A = arith.index_cast %add3A_431 : i32 to index
      %get3A_432 = tpu.vector_load %arg17[%get3A] {strides = array<i32>} : memref<512xi32, #tpu.memory_space<vmem>>, vector<16xi32>,
      %gather3A = tpu.vector_load_idx %arg23[%add3A_429, %get3A_432] : memref<128x128xf32, #tpu.memory_space<vmem>>[vector<16xi32>, vector<16xi32>], vector<16xf32>,
      %get3A_433 = arith.index_cast %add3A_431 : i32 to index
      %get3A_434 = tpu.vector_load %arg18[%get3A_433] {strides = array<i32>} : memref<512xi32, #tpu.memory_space<vmem>>, vector<16xi32>,
      %gather3A_435 = tpu.vector_load_idx %arg24[%add3A_429, %get3A_434] : memref<128x128xf32, #tpu.memory_space<vmem>>[vector<16xi32>, vector<16xi32>], vector<16xf32>,
      %get3A_436 = arith.index_cast %add3A_431 : i32 to index
      %get3A_437 = tpu.vector_load %arg25[%get3A_436] {strides = array<i32>} : memref<528xf32, #tpu.memory_space<vmem>>, vector<16xf32>,
      %add3A_438 = arith.addf %get3A_437, %gather3A : vector<16xf32>
      %add3A_439 = arith.addf %add3A_438, %gather3A_435 : vector<16xf32>
      %add3A_440 = arith.constant 3.500000e+00 : f32
      %add3A_441 = vector.broadcast %add3A_440 : f32 to vector<16xf32>
      %add3A_442 = arith.addf %add3A_439, %add3A_441 : vector<16xf32>
      %swap3A = arith.index_cast %add3A_431 : i32 to index
      %swap3A_443 = tpu.vector_load %arg25[%swap3A] {strides = array<i32>} : memref<528xf32, #tpu.memory_space<vmem>>, vector<16xf32>,
      tpu.vector_store %arg25[%swap3A], %add3A_442 {strides = array<i32>} : memref<528xf32, #tpu.memory_space<vmem>>, vector<16xf32>,
    }
    %scan3A_422 = arith.constant 8 : i32
    "tpu.region"() ({
      %run_scoped3A = tpu.sem_alloc : memref<!tpu.dma_semaphore, #tpu.memory_space<semaphore_mem>>
      %dma_start3A_423 = arith.constant 0 : i32
      %dma_start3A_424 = tpu.memref_slice %arg25[%dma_start3A_423] : memref<528xf32, #tpu.memory_space<vmem>> -> memref<512xf32, #tpu.memory_space<vmem>>
      %dma_start3A_425 = tpu.memref_slice %arg8[%mul3A_2] : memref<16384xf32, #tpu.memory_space<hbm>> -> memref<512xf32, #tpu.memory_space<hbm>>
      %dma_start3A_426 = tpu.memref_slice %arg8[%mul3A_2] : memref<16384xf32, #tpu.memory_space<hbm>> -> memref<512xf32, #tpu.memory_space<hbm>>
      %dma_start3A_427 = arith.constant 0 : i32
      %dma_start3A_428 = tpu.memref_slice %arg25[%dma_start3A_427] : memref<528xf32, #tpu.memory_space<vmem>> -> memref<512xf32, #tpu.memory_space<vmem>>
      tpu.enqueue_dma source(%dma_start3A_428 : memref<512xf32, #tpu.memory_space<vmem>>) target(%dma_start3A_426 : memref<512xf32, #tpu.memory_space<hbm>>) target_semaphore(%run_scoped3A : memref<!tpu.dma_semaphore, #tpu.memory_space<semaphore_mem>>)
      %dma_wait3A_429 = arith.constant 0 : i32
      %dma_wait3A_430 = tpu.memref_slice %arg25[%dma_wait3A_429] : memref<528xf32, #tpu.memory_space<vmem>> -> memref<512xf32, #tpu.memory_space<vmem>>
      %dma_wait3A_431 = tpu.memref_slice %arg8[%mul3A_2] : memref<16384xf32, #tpu.memory_space<hbm>> -> memref<512xf32, #tpu.memory_space<hbm>>
      %dma_wait3A_432 = tpu.memref_slice %arg8[%mul3A_2] : memref<16384xf32, #tpu.memory_space<hbm>> -> memref<512xf32, #tpu.memory_space<hbm>>
      %dma_wait3A_433 = arith.constant 0 : i32
      %dma_wait3A_434 = tpu.memref_slice %arg25[%dma_wait3A_433] : memref<528xf32, #tpu.memory_space<vmem>> -> memref<512xf32, #tpu.memory_space<vmem>>
      tpu.wait_dma2 semaphore(%run_scoped3A : memref<!tpu.dma_semaphore, #tpu.memory_space<semaphore_mem>>) src(%dma_wait3A_434 : memref<512xf32, #tpu.memory_space<vmem>>) dst(%dma_wait3A_432 : memref<512xf32, #tpu.memory_space<hbm>>)
      tpu.yield
    }) : () -> ()
    return
  }
}

</mosaic_0001>

<sc_bundles>
// kernel: kernel.3.cloned.1.call-start
scs
__scs_entry_jumppad:
0x0: {  	(pc) =	sbr.rel $0x88, $3  }
0x1: {  	(tag) =	ssettag $0x0;
	lr =	simm.s32 $0x1  }
0x2: {  	[smem:$0x3F9B] =	sst lr;
	_ =	strace $0xD0000000  }
0x3: {  	_ = 	snop  }
0x4: {  	_ = 	snop  }
0x5: {  	_ = 	snop  }
0x6: {  	_ = 	snop  }
0x7: {  	_ = 	snop  }
__scs_overlays_trampoline_lowered:
0x8: {  	[smem:$0x3FAA] =	sst s0  }
0x9: {  	[smem:$0x3FAB] =	sst s1  }
0xa: {  	[smem:$0x3FAC] =	sst s2  }
0xb: {  	[smem:$0x3FAD] =	sst s3  }
0xc: {  	[smem:$0x3FAE] =	sst s4  }
0xd: {  	[smem:$0x3FAF] =	sst s5  }
0xe: {  	[smem:$0x3FB0] =	sst s6  }
0xf: {  	[smem:$0x3FB1] =	sst s7  }
0x10: {  	[smem:$0x3FB2] =	sst s8  }
0x11: {  	[smem:$0x3FB3] =	sst s9;
	s0 =	simm.s32 @!p0 $0x0  }
0x12: {  	s1 =	sld [smem:$0x3F99];
	s0 =	simm.s32 @p0 $0x1  }
0x13: {  	[smem:$0x3FB4] =	sst s0;
	s0 =	simm.s32 @!p1 $0x0  }
0x14: {  	s2 =	sld [smem:$0x3F98];
	s0 =	simm.s32 @p1 $0x1  }
0x15: {  	[smem:$0x3FB5] =	sst s0;
	s0 =	simm.s32 @!p2 $0x0  }
0x16: {  	s3 =	sld [smem:$0x3FDB];
	s0 =	simm.s32 @p2 $0x1  }
0x17: {  	s4 =	simm.s32 $0x1BF5;
	[smem:$0x3FB7] =	sst s0  }
0x18: {  	s0 =	sld [smem:$0x3F9A];
	_ =	swait.ge [sflag:s4], $0x0  }
0x19: {  	s7 =	sld [smem:$0x3F9B]  }
0x1a: {  	s8 =	sadd.s32 $0xFFFFE003, lr  }
0x1b: {  	s9 =	sadd.s32 $0xFFFFFEF7, lr;
	s5 =	simm.s32 $0xFFFFFFFF;
	p2 =	slt.u32 s8, $0xFFFFF086  }
0x1c: {  	p1 =	slt.u32 s9, $0xF7A;
	s5 =	simm.s32 @!p2 $0x0  }
0x1d: {  	s5 =	simm.s32 @p1 $0x1;
	p0 =	seq.s32 s7, s2  }
0x1e: {  	s7 =	smul.u32 @!p0 $0xF7A, s2;
	p2 =	seq.s32 @!p0 s5, $0x0  }
0x1f: {  	s9 =	smul.u32 $0xF7A, s1;
	s8 =	simm.s32 @!p0 $0x1BF5;
	p2 =	por !p2, p0  }
0x20: {  	[sflag:s8] =	ssyncset.s32 @!p0 $0xFFFFF086;
	s6 =	sadd.s32 @!p0 s3, s7;
	s7 =	simm.s32 @!p0 $0x108  }
0x21: {  	s3 =	sadd.s32 s3, s9;
	s6 =	sadd.s32 @!p0 $0x88, s6;
	s7 =	simm.s32 @p2 $0x1082  }
0x22: {  	[simem:s7], [sflag:s8] =	dma.local @!p0 [hbm:s6], $0xF7A  }
0x23: {  	s9 =	sor.u32 $0xD0000000, s2;
	s6 =	simm.s32 $0x108;
	_ =	swait.ge @!p0 [sflag:s8], $0x0  }
0x24: {  	s3 =	sadd.s32 $0x88, s3;
	s6 =	simm.s32 @!p1 $0x1082;
	[sflag:s4] =	ssyncset.s32 $0xFFFFF086  }
0x25: {  	[simem:s6], [sflag:s4] =	dma.local [hbm:s3], $0xF7A  }
0x26: {  	[smem:$0x3F9B] =	sst s1;
	(tag) =	ssettag s2;
	_ =	strace s9  }
0x27: {  	s1 =	sld [smem:$0x3FAB]  }
0x28: {  	s2 =	sld [smem:$0x3FAC]  }
0x29: {  	s4 =	sld [smem:$0x3FAE]  }
0x2a: {  	p0 =	seq.s32 s5, $0x0;
	s5 =	sld [smem:$0x3FAF]  }
0x2b: {  	s6 =	sld [smem:$0x3FB0]  }
0x2c: {  	s7 =	sld [smem:$0x3FB1]  }
0x2d: {  	s3 =	simm.s32 $0x108;
	s8 =	sld [smem:$0x3FB2]  }
0x2e: {  	s3 =	simm.s32 @!p0 $0x1082;
	s9 =	sld [smem:$0x3FB3]  }
0x2f: {  	lr =	sadd.s32 s0, s3;
	s0 =	sld [smem:$0x3FAA]  }
0x30: {  	s3 =	sld [smem:$0x3FAD]  }
0x31: {  	[smem:$0x3FB6] =	sst s10  }
0x32: {  	s10 =	sld [smem:$0x3FB4];
	_ =	sdelay $0x3  }
0x33: {  	p0 =	seq.s32 s10, $0x1;
	s10 =	sld [smem:$0x3FB6];
	_ =	sdelay $0x3  }
0x34: {  	[smem:$0x3FB6] =	sst s10  }
0x35: {  	s10 =	sld [smem:$0x3FB5];
	_ =	sdelay $0x3  }
0x36: {  	p1 =	seq.s32 s10, $0x1;
	s10 =	sld [smem:$0x3FB6];
	_ =	sdelay $0x3  }
0x37: {  	[smem:$0x3FB6] =	sst s10  }
0x38: {  	s10 =	sld [smem:$0x3FB7]  }
0x39: {  	_ = 	snop;
	(pc) =	sbr.ind lr, $3  }
0x3a: {  	_ = 	snop  }
0x3b: {  	_ = 	snop  }
0x3c: {  	p2 =	seq.s32 s10, $0x1;
	s10 =	sld [smem:$0x3FB6]  }
0x3d: {  	_ =	shalt  }
0x3e: {  	_ =	shalt  }
0x3f: {  	_ =	shalt  }
0x40: {  	_ =	shalt  }
0x41: {  	_ =	shalt  }
0x42: {  	_ =	shalt  }
0x43: {  	_ =	shalt  }
0x44: {  	_ =	shalt  }
0x45: {  	_ =	shalt  }
0x46: {  	_ =	shalt  }
0x47: {  	_ =	shalt  }
0x48: {  	_ =	shalt  }
0x49: {  	_ =	shalt  }
0x4a: {  	_ =	shalt  }
0x4b: {  	_ =	shalt  }
0x4c: {  	_ =	shalt  }
0x4d: {  	_ =	shalt  }
0x4e: {  	_ =	shalt  }
0x4f: {  	_ =	shalt  }
0x50: {  	_ =	shalt  }
0x51: {  	_ =	shalt  }
0x52: {  	_ =	shalt  }
0x53: {  	_ =	shalt  }
0x54: {  	_ =	shalt  }
0x55: {  	_ =	shalt  }
0x56: {  	_ =	shalt  }
0x57: {  	_ =	shalt  }
0x58: {  	_ =	shalt  }
0x59: {  	_ =	shalt  }
0x5a: {  	_ =	shalt  }
0x5b: {  	_ =	shalt  }
0x5c: {  	_ =	shalt  }
0x5d: {  	_ =	shalt  }
0x5e: {  	_ =	shalt  }
0x5f: {  	_ =	shalt  }
0x60: {  	_ =	shalt  }
0x61: {  	_ =	shalt  }
0x62: {  	_ =	shalt  }
0x63: {  	_ =	shalt  }
0x64: {  	_ =	shalt  }
0x65: {  	_ =	shalt  }
0x66: {  	_ =	shalt  }
0x67: {  	_ =	shalt  }
0x68: {  	_ =	shalt  }
0x69: {  	_ =	shalt  }
0x6a: {  	_ =	shalt  }
0x6b: {  	_ =	shalt  }
0x6c: {  	_ =	shalt  }
0x6d: {  	_ =	shalt  }
0x6e: {  	_ =	shalt  }
0x6f: {  	_ =	shalt  }
0x70: {  	_ =	shalt  }
0x71: {  	_ =	shalt  }
0x72: {  	_ =	shalt  }
0x73: {  	_ =	shalt  }
0x74: {  	_ =	shalt  }
0x75: {  	_ =	shalt  }
0x76: {  	_ =	shalt  }
0x77: {  	_ =	shalt  }
0x78: {  	_ =	shalt  }
0x79: {  	_ =	shalt  }
0x7a: {  	_ =	shalt  }
0x7b: {  	_ =	shalt  }
0x7c: {  	_ =	shalt  }
0x7d: {  	_ =	shalt  }
0x7e: {  	_ =	shalt  }
0x7f: {  	_ =	shalt  }
0x80: {  	_ =	shalt  }
0x81: {  	_ =	shalt  }
0x82: {  	_ =	shalt  }
0x83: {  	_ =	shalt  }
0x84: {  	_ =	shalt  }
0x85: {  	_ =	shalt  }
0x86: {  	_ =	shalt  }
0x87: {  	_ =	shalt  }
.Lfunc_end0:
.L_simem_size_0:
called_computation_lowered:
.L_overlay_start_0:
0x88: {  	s2 =	sld [smem:$0x3FD9]  }
0x89: {  	s3 =	sld [smem:$0x3FFE];
	_ =	sdelay $0x1  }
0x8a: {  	s1 =	srdreg.scid  }
0x8b: {  	s0 =	sand.u32 $0x1, s1  }
0x8c: {  	s17 =	sshll.u32 s0, $0xA;
	s2 =	sadd.s32 s3, s2  }
0x8d: {  	s2 =	sadd.s32 s2, s17  }
0x8e: {  	[smem:$0x3FC2] =	sst s2  }
0x8f: {  	_ = 	snop  }
0x90: {  	s2 =	sld [smem:$0x3FC9]  }
0x91: {  	s18 =	sld [smem:$0x3FC8]  }
0x92: {  	s4 =	sld [smem:$0x3FD0];
	(tm) =	ssettm $0x1  }
0x93: {  	s5 =	sld [smem:$0x3FFB];
	_ =	sdelay $0x3  }
0x94: {  	_ =	strace s5  }
0x95: {  	s5 =	sld [smem:$0x3FFC];
	_ =	sdelay $0x3  }
0x96: {  	_ =	strace s5  }
0x97: {  	s5 =	sld [smem:$0x3FFD];
	_ =	sdelay $0x3  }
0x98: {  	_ =	strace s5  }
0x99: {  	_ =	strace $0x8FFFFFFF  }
0x9a: {  	s19 =	sld [smem:$0x3FDB];
	_ =	sdelay $0x1  }
0x9b: {  	s6 =	simm.s32 $_scs_section_size  }
0x9c: {  	s7 =	simm.s32 $_size__tile_overlayer_lowered;
	s8 =	simm.s32 $_tile_overlayer_lowered  }
0x9d: {  	s22 =	simm.s32 $0x1BFF;
	s21 =	sshll.u32 s8, $0x1;
	s5 =	sadd.s32 s6, s19  }
0x9e: {  	s9 =	simm.s32 $0x0;
	s20 =	sshll.u32 s7, $0x1;
	s7 =	sadd.s32 s21, s5  }
0x9f: {  	[timem:s9], [sflag:s22] =	dma.local [hbm:s7], s20  }
0xa0: {  	_ =	swait.ge [sflag:s22], s20  }
0xa1: {  	s6 =	ssub.s32 $0x0, s20;
	[sflag:s22] =	ssyncset.done $0x0  }
0xa2: {  	[sflag:s22] =	ssyncadd.s32 s6;
	_ =	sdelay $0x1  }
0xa3: {  	s23 =	simm.s32 $0x1B8B  }
0xa4: {  	_ =	swait.ge [sflag:s23], $0x1  }
0xa5: {  	[sflag:s23] =	ssyncset.done $0x0  }
0xa6: {  	s25 =	simm.s32 $0x1B8E;
	s24 =	sld [smem:$0x3FFE];
	[sflag:s23] =	ssyncadd.s32 $0xFFFFFFFF  }
0xa7: {  	s26 =	simm.s32 $execute0_lowered;
	[smem:$0x3FD2] =	sst s25  }
0xa8: {  	s7 =	sshll.u32 s26, $0x1;
	_ =	strace $0x80000046;
	[dreg:$0x1] =	wrdreg $0xFFFFFFFF  }
0xa9: {  	s28 =	simm.s32 $_size_execute0_lowered;
	s5 =	sadd.s32 s5, s7;
	[dreg:$0x0] =	wrdreg $0x0  }
0xaa: {  	s7 =	sshll.u32 s28, $0x1;
	[dreg:$0x2] =	wrdreg s5  }
0xab: {  	[dreg:$0x3] =	wrdreg s7  }
0xac: {  	[dreg:$0x4] =	wrdreg $0xC0  }
0xad: {  	_ =	task [dreg:s9], $0x5FFFF  }
0xae: {  	[dreg:$0x1] =	wrdreg $0xFFFFFFFF  }
0xaf: {  	[dreg:$0x0] =	wrdreg $0x60  }
0xb0: {  	[dreg:$0x2] =	wrdreg s2  }
0xb1: {  	[dreg:$0x3] =	wrdreg s18  }
0xb2: {  	[dreg:$0x4] =	wrdreg s24  }
0xb3: {  	[dreg:$0x5] =	wrdreg s4  }
0xb4: {  	[dreg:$0x6] =	wrdreg $0x9  }
0xb5: {  	_ =	task.clear_ibuf [dreg:s9], $0x7FFFF;
	_ =	strace $0x90000046  }
0xb6: {  	s29 =	simm.s32 $0x9;
	_ =	strace $0x80000048  }
0xb7: {  	_ =	swait.ge [sflag:s29], $0x1  }
0xb8: {  	[sflag:s29] =	ssyncadd.s32 $0xFFFFFFFF  }
0xb9: {  	_ =	strace $0x90000048  }
0xba: {  	_ =	sfence  }
0xbb: {  	s30 =	sld [smem:$0x0];
	_ =	sdelay $0x2  }
0xbc: {  	s31 =	sshll.u32 s1, $0xD;
	s1 =	sshrl.u32 s1, $0x2  }
0xbd: {  	s3 =	sand.u32 $0x4000, s31;
	s1 =	sadd.s32 s1, s30  }
0xbe: {  	s0 =	sor.u32 s3, s0;
	s1 =	sshll.u32 s1, $0x11  }
0xbf: {  	s0 =	sor.u32 s1, s0  }
0xc0: {  	s0 =	sadd.s32 $0x8F2B, s0  }
0xc1: {  	[sflag:s0] =	ssyncadd.remote.s32 $0x1  }
0xc2: {  	_ =	sfence.sel $0xFFFF  }
0xc3: {  	[dreg:$0x0] =	wrdreg $0xFFFFFFFF;
	(pc) =	sbr.abs _section_cstart, $3  }
0xc4: {  	[dreg:$0x1] =	wrdreg $0xFFFFFFFF  }
0xc5: {  	_ =	task.clear_ibuf [dreg:s9], $0x2FFFF;
	_ =	strace $0x9FFFFFFF  }
0xc6: {  	(tm) =	ssettm $0x7FFFFFFF  }
0xc7: {  	_ =	shalt  }
tec
execute0_lowered:
.L_overlay_start_1:
0x0: {  	(tag) =	ssettag $0x1  }
0x1: {  	s0 =	rddreg [dreg:$0x0]  }
0x2: {  	s3 =	rddreg [dreg:$0x1]  }
0x3: {  	s1 =	rddreg [dreg:$0x2]  }
0x4: {  	s15 =	rddreg [dreg:$0x3];
	s2 =	simm.s32 $0x0  }
0x5: {  	s5 =	srdreg.scid;
	s6 =	stileid.u32;
	s18 =	simm.s32 $0x80  }
0x6: {  	s19 =	simm.s32 $0x11500;
	s28 =	simm.s32 $0x4;
	s5 =	sand.u32 $0x1, s5  }
0x7: {  	s30 =	simm.s32 $0x0;
	s6 =	sshll.u32 s6, $0x7;
	s8 =	sshll.u32 s5, $0x6  }
0x8: {  	[smem:$0x7FF] =	sst s2;
	s4 =	sadd.s32 $0xF42400, s1;
	s16 =	sor.u32 s8, s6  }
0x9: {  	_ =	strace $0x80000047;
	s7 =	ssub.s32 $0x2, s5;
	s20 =	sadd.s32 s0, s16  }
0xa: {  	s5 =	sadd.s32 $0x186A00, s1;
	s21 =	sadd.s32 s3, s16;
	[dreg:$0x5] =	wrdreg s20  }
0xb: {  	s10 =	sor.u32 $0x10, s16;
	s29 =	sadd.s32 s15, s16;
	[dreg:$0x6] =	wrdreg s21  }
0xc: {  	s9 =	sshrl.u32 s7, $0x1;
	s22 =	sadd.s32 s0, s10;
	[dreg:$0xd] =	wrdreg s29  }
0xd: {  	s12 =	sor.u32 $0x20, s16;
	s23 =	sadd.s32 s3, s10;
	[dreg:$0x7] =	wrdreg s22  }
0xe: {  	s6 =	sadd.s32 $0x1EA00, s1;
	s24 =	sadd.s32 s0, s12;
	[dreg:$0x8] =	wrdreg s23  }
0xf: {  	s14 =	sor.u32 $0x30, s16;
	s25 =	sadd.s32 s3, s12;
	[dreg:$0x9] =	wrdreg s24  }
0x10: {  	s17 =	ssub.s32 s7, s9;
	s0 =	sadd.s32 s0, s14;
	[dreg:$0xa] =	wrdreg s25  }
0x11: {  	s26 =	sadd.s32 s3, s14;
	s31 =	smax.u32 s17, $0x1;
	[dreg:$0xb] =	wrdreg s0  }
0x12: {  	v0 =	vlaneseq.u32;
	s21 =	simm.s32 $0x15500;
	s17 =	simm.s32 $0x3;
	[dreg:$0xc] =	wrdreg s26  }
0x13: {  	vm0 =	vcmask $0x3F3C;
	v0 =	vmul.u32 $0x80, v0;
	[dreg:$0xe] =	wrdreg s31;
	s24 =	simm.s32 $0x1;
	s22 =	simm.s32 $0x2  }
.LBB2_1:
0x14: {  	s0 =	rddreg [dreg:$0x5]  }
0x15: {  	[tilespmem:s2], [sflag:$0x1] =	stream.linear.gather [hbm4b:s0+s2], $0x80, $0x38;
	[tilespmem:$0x19780] =	vst v63  }
0x16: {  	s11 =	rddreg [dreg:$0x6];
	s3 =	simm.s32 $0x200  }
0x17: {  	[tilespmem:s3], [sflag:$0x1] =	stream.linear.gather [hbm4b:s11+s2], $0x80, $0x38;
	[tilespmem:$0x19780] =	vst v63  }
0x18: {  	s12 =	rddreg [dreg:$0x7]  }
0x19: {  	[tilespmem:s18], [sflag:$0x1] =	stream.linear.gather [hbm4b:s12+s2], $0x80, $0x38;
	[tilespmem:$0x19780] =	vst v63  }
0x1a: {  	s13 =	rddreg [dreg:$0x8];
	s14 =	simm.s32 $0x280  }
0x1b: {  	[tilespmem:s14], [sflag:$0x1] =	stream.linear.gather [hbm4b:s13+s2], $0x80, $0x38;
	[tilespmem:$0x19780] =	vst v63  }
0x1c: {  	s15 =	rddreg [dreg:$0x9];
	s16 =	simm.s32 $0x100  }
0x1d: {  	[tilespmem:s16], [sflag:$0x1] =	stream.linear.gather [hbm4b:s15+s2], $0x80, $0x38;
	[tilespmem:$0x19780] =	vst v63  }
0x1e: {  	s20 =	rddreg [dreg:$0xa];
	s23 =	simm.s32 $0x300  }
0x1f: {  	[tilespmem:s23], [sflag:$0x1] =	stream.linear.gather [hbm4b:s20+s2], $0x80, $0x38;
	[tilespmem:$0x19780] =	vst v63  }
0x20: {  	s25 =	rddreg [dreg:$0xb];
	s26 =	simm.s32 $0x180  }
0x21: {  	[tilespmem:s26], [sflag:$0x1] =	stream.linear.gather [hbm4b:s25+s2], $0x80, $0x38;
	[tilespmem:$0x19780] =	vst v63  }
0x22: {  	s29 =	rddreg [dreg:$0xc];
	s31 =	simm.s32 $0x380  }
0x23: {  	[tilespmem:s31], [sflag:$0x1] =	stream.linear.gather [hbm4b:s29+s2], $0x80, $0x38;
	[tilespmem:$0x19780] =	vst v63  }
0x24: {  	_ =	swait.ge [sflag:s24], $0x80  }
0x25: {  	[sflag:s24] =	ssyncset.done $0x0  }
0x26: {  	[sflag:s24] =	ssyncadd.s32 $0xFFFFFF80  }
0x27: {  	_ =	swait.ge [sflag:s24], $0x80  }
0x28: {  	[sflag:s24] =	ssyncset.done $0x0  }
0x29: {  	[sflag:s24] =	ssyncadd.s32 $0xFFFFFF80  }
0x2a: {  	_ =	swait.ge [sflag:s24], $0x80  }
0x2b: {  	[sflag:s24] =	ssyncset.done $0x0  }
0x2c: {  	[sflag:s24] =	ssyncadd.s32 $0xFFFFFF80  }
0x2d: {  	_ =	swait.ge [sflag:s24], $0x80  }
0x2e: {  	[sflag:s24] =	ssyncset.done $0x0  }
0x2f: {  	[sflag:s24] =	ssyncadd.s32 $0xFFFFFF80  }
0x30: {  	_ =	swait.ge [sflag:s24], $0x80  }
0x31: {  	[sflag:s24] =	ssyncset.done $0x0  }
0x32: {  	[sflag:s24] =	ssyncadd.s32 $0xFFFFFF80  }
0x33: {  	_ =	swait.ge [sflag:s24], $0x80  }
0x34: {  	[sflag:s24] =	ssyncset.done $0x0  }
0x35: {  	[sflag:s24] =	ssyncadd.s32 $0xFFFFFF80  }
0x36: {  	_ =	swait.ge [sflag:s24], $0x80  }
0x37: {  	[sflag:s24] =	ssyncset.done $0x0  }
0x38: {  	[sflag:s24] =	ssyncadd.s32 $0xFFFFFF80  }
0x39: {  	_ =	swait.ge [sflag:s24], $0x80  }
0x3a: {  	[sflag:s24] =	ssyncset.done $0x0  }
0x3b: {  	s0 =	simm.s32 $0x0;
	[sflag:s24] =	ssyncadd.s32 $0xFFFFFF80  }
0x3c: {  	v1 =	vld [tilespmem:s0+$0x200]  }
0x3d: {  	v4 =	vld [tilespmem:s0+$0x0];
	_ =	sdelay $0x3  }
0x3e: {  	v5 =	vshra.s32 v1, $0x1;
	v6 =	vshll.u32 v1, $0x6;
	v2 =	vshra.s32 v1, $0x7  }
0x3f: {  	v3 =	vshra.s32 v4, $0x1;
	[tilespmem:s0+$0x600] =	vst v5;
	v5 =	vshll.u32 v4, $0x6;
	v7 =	vand.u32 $0x40, v6  }
0x40: {  	s20 =	simm.s32 $0x10;
	s23 =	simm.s32 $0x80;
	v6 =	vand.u32 $0x40, v5;
	[tilespmem:s0+$0xE80] =	vst v7;
	v5 =	vshra.s32 v4, $0x7;
	v4 =	vand.u32 $0x7F, v4  }
.LBB2_2:
0x41: {  	p0 =	sne.s32 s23, $0x7C0;
	[tilespmem:s0+$0xC00] =	vst v6;
	v6 =	vand.u32 $0x7F, v1;
	v1 =	vld [tilespmem:s20+$0x200]  }
0x42: {  	v7 =	vld [tilespmem:s20+$0x0];
	[tilespmem:s0+$0x400] =	vst v3  }
0x43: {  	[tilespmem:s0+$0x800] =	vst v5  }
.Ltmp0:
0x44: {  	[tilespmem:s0+$0xA00] =	vst v2;
	(pc) =	sbr.rel @p0 .LBB2_2-.Ltmp0, $4  }
0x45: {  	[tilespmem:s0+$0x1100] =	vst v4  }
0x46: {  	v4 =	vshra.s32 v1, $0x1;
	v5 =	vshll.u32 v1, $0x6;
	v2 =	vshra.s32 v1, $0x7;
	[tilespmem:s0+$0x1300] =	vst v6;
	s0 =	smov.u32 s20  }
0x47: {  	v3 =	vshra.s32 v7, $0x1;
	[tilespmem:s0+$0x600] =	vst v4;
	v4 =	vshll.u32 v7, $0x6;
	v5 =	vand.u32 $0x40, v5  }
0x48: {  	s20 =	sshra.s32 s23, $0x2;
	s23 =	sadd.s32 $0x40, s23;
	v6 =	vand.u32 $0x40, v4;
	[tilespmem:s0+$0xE80] =	vst v5;
	v5 =	vshra.s32 v7, $0x7;
	v4 =	vand.u32 $0x7F, v7  }
0x49: {  	v7 =	vld [tilespmem:s20+$0x200];
	[tilespmem:s0+$0xC00] =	vst v6  }
0x4a: {  	v6 =	vld [tilespmem:s20+$0x0];
	[tilespmem:s0+$0x400] =	vst v3  }
0x4b: {  	[tilespmem:s0+$0x800] =	vst v5  }
0x4c: {  	[tilespmem:s0+$0xA00] =	vst v2  }
0x4d: {  	v1 =	vand.u32 $0x7F, v1;
	[tilespmem:s0+$0x1100] =	vst v4  }
0x4e: {  	[tilespmem:s0+$0x1300] =	vst v1;
	v2 =	vshra.s32 v7, $0x1;
	v3 =	vshll.u32 v7, $0x6  }
0x4f: {  	[tilespmem:s20+$0x600] =	vst v2;
	v1 =	vshll.u32 v6, $0x6;
	v2 =	vand.u32 $0x40, v3  }
0x50: {  	v1 =	vand.u32 $0x40, v1;
	[tilespmem:s20+$0xE80] =	vst v2  }
0x51: {  	v2 =	vshra.s32 v6, $0x1;
	[tilespmem:s20+$0xC00] =	vst v1  }
0x52: {  	v1 =	vshra.s32 v6, $0x7;
	[tilespmem:s20+$0x400] =	vst v2  }
0x53: {  	v2 =	vshra.s32 v7, $0x7;
	[tilespmem:s20+$0x800] =	vst v1  }
0x54: {  	v1 =	vand.u32 $0x7F, v6;
	[tilespmem:s20+$0xA00] =	vst v2  }
0x55: {  	v2 =	vand.u32 $0x7F, v7;
	[tilespmem:s20+$0x1100] =	vst v1  }
0x56: {  	s12 =	simm.s32 $0x400;
	s3 =	simm.s32 $0x1500;
	[tilespmem:s20+$0x1300] =	vst v2  }
0x57: {  	[tilespmem:s3], [sflag:$0x2] =	stream.indirect.gather [hbm4b:s4+s18], $0x80, s12, s18, $0xb8;
	[tilespmem:$0x19780] =	vst v63  }
0x58: {  	s13 =	simm.s32 $0x600;
	s14 =	simm.s32 $0x9500  }
0x59: {  	[tilespmem:s14], [sflag:$0x2] =	stream.indirect.gather [hbm4b:s5+s18], $0x80, s13, s18, $0xb8;
	[tilespmem:$0x19780] =	vst v63  }
0x5a: {  	s15 =	simm.s32 $0x480;
	s16 =	simm.s32 $0x5500  }
0x5b: {  	[tilespmem:s16], [sflag:$0x3] =	stream.indirect.gather [hbm4b:s4+s18], $0x80, s15, s18, $0xb8;
	[tilespmem:$0x19780] =	vst v63  }
0x5c: {  	s23 =	simm.s32 $0xD500;
	s20 =	simm.s32 $0x680  }
0x5d: {  	[tilespmem:s23], [sflag:$0x3] =	stream.indirect.gather [hbm4b:s5+s18], $0x80, s20, s18, $0xb8;
	[tilespmem:$0x19780] =	vst v63  }
0x5e: {  	s25 =	simm.s32 $0x800  }
0x5f: {  	[tilespmem:s19], [sflag:$0x4] =	stream.indirect.gather [hbm4b:s1+s18], $0x80, s25, s18, $0xb8;
	[tilespmem:$0x19780] =	vst v63  }
0x60: {  	s26 =	simm.s32 $0xA00  }
0x61: {  	[tilespmem:s21], [sflag:$0x4] =	stream.indirect.gather [hbm4b:s6+s18], $0x80, s26, s18, $0xb8;
	[tilespmem:$0x19780] =	vst v63  }
0x62: {  	_ =	swait.ge [sflag:s22], $0x4000  }
0x63: {  	[sflag:s22] =	ssyncset.done $0x0  }
0x64: {  	[sflag:s22] =	ssyncadd.s32 $0xFFFFC000  }
0x65: {  	_ =	swait.ge [sflag:s22], $0x4000  }
0x66: {  	[sflag:s22] =	ssyncset.done $0x0  }
0x67: {  	s31 =	simm.s32 $0xC00;
	[sflag:s22] =	ssyncadd.s32 $0xFFFFC000  }
0x68: {  	v1 =	vld [tilespmem:s31+$0x0];
	_ =	sdelay $0x4  }
0x69: {  	(v2sf) =	vpush v1, $0x0;
	_ =	sdelay $0x2  }
0x6a: {  	s3 =	simm.s32 $0xE80  }
0x6b: {  	v1 =	vld [tilespmem:s3+$0x0];
	_ =	sdelay $0x4  }
0x6c: {  	(v2sf) =	vpush v1, $0x0;
	_ =	sdelay $0x5  }
0x6d: {  	s7 =	spop (v2sf)  }
0x6e: {  	s8 =	sand.u32 $0x7F, s7;
	s23 =	sadd.s32 $0x20, s7;
	s26 =	sadd.s32 $0x30, s7  }
0x6f: {  	s29 =	sshll.u32 s7, $0x2;
	s0 =	sadd.s32 $0x10, s7;
	s31 =	sand.u32 $0x7F, s26  }
0x70: {  	s9 =	sand.u32 $0x7F, s23;
	s23 =	sshll.u32 s23, $0x2;
	s26 =	sshll.u32 s26, $0x2  }
0x71: {  	s29 =	sand.u32 $0xFFFFFE00, s29;
	s20 =	sshll.u32 s8, $0x2;
	s7 =	sand.u32 $0x7F, s0  }
0x72: {  	s0 =	sshll.u32 s0, $0x2;
	s26 =	sand.u32 $0xFFFFFE00, s26;
	s31 =	sshll.u32 s31, $0x2  }
0x73: {  	s20 =	sor.u32 s20, s29;
	s23 =	sand.u32 $0xFFFFFE00, s23;
	s3 =	sshll.u32 s9, $0x2  }
0x74: {  	s0 =	sand.u32 $0xFFFFFE00, s0;
	s7 =	sshll.u32 s7, $0x2;
	s26 =	sor.u32 s31, s26  }
0x75: {  	s0 =	sor.u32 s7, s0;
	s3 =	sor.u32 s3, s23;
	s20 =	sshra.s32 s20, $0x2  }
0x76: {  	s10 =	spop (v2sf);
	s20 =	sadd.s32 $0x0, s20;
	s0 =	sshra.s32 s0, $0x2  }
0x77: {  	s3 =	sshra.s32 s3, $0x2;
	s11 =	sand.u32 $0x7F, s10;
	s29 =	sadd.s32 $0x20, s10  }
0x78: {  	s12 =	sshll.u32 s10, $0x2;
	s8 =	sadd.s32 $0x10, s10;
	s0 =	sadd.s32 $0x0, s0  }
0x79: {  	s3 =	sadd.s32 $0x0, s3;
	s15 =	sadd.s32 $0x30, s10;
	s31 =	sand.u32 $0xFFFFFE00, s12  }
0x7a: {  	s23 =	sshll.u32 s11, $0x2;
	s9 =	sand.u32 $0x7F, s29;
	s13 =	sshll.u32 s8, $0x2  }
0x7b: {  	v1 =	vld [tilespmem:s20+$0x1500];
	s29 =	sshll.u32 s29, $0x2;
	s8 =	sand.u32 $0x7F, s8;
	s20 =	sand.u32 $0x7F, s15  }
0x7c: {  	s23 =	sor.u32 s23, s31;
	s31 =	sand.u32 $0xFFFFFE00, s13;
	s8 =	sshll.u32 s8, $0x2  }
0x7d: {  	s29 =	sand.u32 $0xFFFFFE00, s29;
	s8 =	sor.u32 s8, s31;
	s14 =	sshra.s32 s23, $0x2  }
0x7e: {  	v2 =	vld [tilespmem:s0+$0x1500];
	s9 =	sshll.u32 s9, $0x2;
	s16 =	sadd.s32 $0x0, s14;
	s8 =	sshra.s32 s8, $0x2  }
0x7f: {  	s0 =	sshll.u32 s15, $0x2;
	s9 =	sor.u32 s9, s29;
	v3 =	vld [tilespmem:s16+$0x9500];
	s8 =	sadd.s32 $0x0, s8  }
0x80: {  	s0 =	sand.u32 $0xFFFFFE00, s0;
	s7 =	sshll.u32 s20, $0x2;
	s23 =	sshra.s32 s9, $0x2;
	v60 =	vld [tilespmem:s8+$0x9500]  }
0x81: {  	s26 =	sshra.s32 s26, $0x2;
	v61 =	vld [tilespmem:s3+$0x1500];
	s0 =	sor.u32 s7, s0;
	s25 =	sadd.s32 $0x0, s23  }
0x82: {  	s31 =	sadd.s32 $0x0, s26;
	s0 =	sshra.s32 s0, $0x2;
	v62 =	vld [tilespmem:s25+$0x9500]  }
0x83: {  	v63 =	vld [tilespmem:s31+$0x1500];
	s0 =	sadd.s32 $0x0, s0  }
0x84: {  	v8 =	vld [tilespmem:s0+$0x9500]  }
0x85: {  	v1 =	vmul.f32 v3, v1;
	v2 =	vmul.f32 v60, v2;
	_ =	sdelay $0x1  }
0x86: {  	v1 =	vadd.f32 v2, v1;
	v2 =	vmul.f32 v62, v61;
	_ =	sdelay $0x1  }
0x87: {  	v1 =	vadd.f32 v2, v1;
	v2 =	vmul.f32 v8, v63;
	_ =	sdelay $0x1  }
0x88: {  	v1 =	vadd.f32 v2, v1;
	_ =	sdelay $0x1  }
0x89: {  	(xrf2) =	vadd.scan.msk.f32 $0xffff, v1;
	_ =	sdelay $0x9  }
0x8a: {  	s0 =	simm.s32 $0x19500;
	v1, _, _ =	vpop (xrf2)  }
0x8b: {  	s20 =	simm.s32 $0xC01;
	[tilespmem:s0+$0x0] =	vst.msk vm0, v1  }
0x8c: {  	v1 =	vld [tilespmem:s20+$0x0];
	_ =	sdelay $0x4  }
0x8d: {  	(v2sf) =	vpush v1, $0x0;
	_ =	sdelay $0x3  }
0x8e: {  	s23 =	simm.s32 $0xE81  }
0x8f: {  	v1 =	vld [tilespmem:s23+$0x0];
	_ =	sdelay $0x1  }
0x90: {  	s26 =	simm.s32 $0x200;
	s29 =	simm.s32 $0x400  }
.LBB2_4:
0x91: {  	p0 =	sne.s32 s29, $0xFE00;
	_ =	sdelay $0x1  }
0x92: {  	(v2sf) =	vpush v1, $0x0;
	_ =	sdelay $0x4  }
0x93: {  	s31 =	sshra.s32 s26, $0x2;
	s26 =	smov.u32 s29;
	s3 =	spop (v2sf)  }
0x94: {  	s7 =	sand.u32 $0x7F, s3;
	s8 =	sadd.s32 $0x20, s3;
	s9 =	sadd.s32 $0x30, s3  }
0x95: {  	s10 =	sshll.u32 s3, $0x2;
	s3 =	sadd.s32 $0x10, s3;
	s11 =	sand.u32 $0x7F, s9  }
0x96: {  	s12 =	sand.u32 $0x7F, s8;
	s8 =	sshll.u32 s8, $0x2;
	s9 =	sshll.u32 s9, $0x2  }
0x97: {  	s10 =	sand.u32 $0xFFFFFE00, s10;
	s7 =	sshll.u32 s7, $0x2;
	s13 =	sand.u32 $0x7F, s3  }
0x98: {  	s3 =	sshll.u32 s3, $0x2;
	s9 =	sand.u32 $0xFFFFFE00, s9;
	s11 =	sshll.u32 s11, $0x2  }
0x99: {  	s7 =	sor.u32 s7, s10;
	s8 =	sand.u32 $0xFFFFFE00, s8;
	s10 =	sshll.u32 s12, $0x2  }
0x9a: {  	s3 =	sand.u32 $0xFFFFFE00, s3;
	s12 =	sshll.u32 s13, $0x2;
	s9 =	sor.u32 s11, s9  }
0x9b: {  	s7 =	sshra.s32 s7, $0x2;
	s3 =	sor.u32 s12, s3;
	s8 =	sor.u32 s10, s8  }
0x9c: {  	s7 =	sadd.s32 s31, s7;
	s3 =	sshra.s32 s3, $0x2;
	s8 =	sshra.s32 s8, $0x2  }
0x9d: {  	s3 =	sadd.s32 s31, s3;
	s8 =	sadd.s32 s31, s8;
	s10 =	spop (v2sf)  }
0x9e: {  	s11 =	sand.u32 $0x7F, s10;
	s12 =	sadd.s32 $0x20, s10;
	s13 =	sadd.s32 $0x30, s10  }
0x9f: {  	s14 =	sshll.u32 s10, $0x2;
	s10 =	sadd.s32 $0x10, s10;
	s15 =	sand.u32 $0x7F, s13  }
0xa0: {  	s14 =	sand.u32 $0xFFFFFE00, s14;
	s16 =	sand.u32 $0x7F, s12;
	s12 =	sshll.u32 s12, $0x2  }
0xa1: {  	s11 =	sshll.u32 s11, $0x2;
	s25 =	sand.u32 $0x7F, s10;
	s10 =	sshll.u32 s10, $0x2  }
0xa2: {  	s11 =	sor.u32 s11, s14;
	s10 =	sand.u32 $0xFFFFFE00, s10;
	s14 =	sshll.u32 s25, $0x2  }
0xa3: {  	s10 =	sor.u32 s14, s10;
	v1 =	vld [tilespmem:s7+$0x1500];
	s7 =	sshra.s32 s11, $0x2;
	s11 =	sand.u32 $0xFFFFFE00, s12  }
0xa4: {  	s7 =	sadd.s32 s31, s7;
	v2 =	vld [tilespmem:s3+$0x1500];
	s3 =	sshra.s32 s10, $0x2;
	s10 =	sshll.u32 s16, $0x2  }
0xa5: {  	v3 =	vld [tilespmem:s7+$0x9500];
	s3 =	sadd.s32 s31, s3;
	s7 =	sor.u32 s10, s11;
	s10 =	sshll.u32 s13, $0x2  }
0xa6: {  	v4 =	vld [tilespmem:s3+$0x9500];
	s3 =	sshra.s32 s7, $0x2;
	s7 =	sand.u32 $0xFFFFFE00, s10;
	s10 =	sshll.u32 s15, $0x2  }
0xa7: {  	v5 =	vld [tilespmem:s8+$0x1500];
	s3 =	sadd.s32 s31, s3;
	s8 =	sshra.s32 s9, $0x2;
	s7 =	sor.u32 s10, s7  }
0xa8: {  	v6 =	vld [tilespmem:s3+$0x9500];
	s3 =	sadd.s32 s31, s8;
	s7 =	sshra.s32 s7, $0x2  }
0xa9: {  	v7 =	vld [tilespmem:s3+$0x1500];
	s3 =	sadd.s32 s31, s7  }
0xaa: {  	v8 =	vld [tilespmem:s3+$0x9500]  }
0xab: {  	v1 =	vmul.f32 v3, v1;
	v2 =	vmul.f32 v4, v2;
	_ =	sdelay $0x1  }
0xac: {  	v1 =	vadd.f32 v2, v1;
	v2 =	vmul.f32 v6, v5;
	_ =	sdelay $0x1  }
0xad: {  	v1 =	vadd.f32 v2, v1;
	v2 =	vmul.f32 v8, v7;
	_ =	sdelay $0x1  }
0xae: {  	v1 =	vadd.f32 v2, v1;
	_ =	sdelay $0x1  }
0xaf: {  	(xrf2) =	vadd.scan.msk.f32 $0xffff, v1;
	_ =	sdelay $0x9  }
0xb0: {  	s0 =	sadd.s32 $0x1, s0;
	v1, _, _ =	vpop (xrf2)  }
0xb1: {  	s20 =	sadd.s32 $0x1, s20;
	[tilespmem:s0+$0x0] =	vst.msk vm0, v1  }
0xb2: {  	v1 =	vld [tilespmem:s20+$0x0];
	_ =	sdelay $0x4  }
0xb3: {  	(v2sf) =	vpush v1, $0x0;
	_ =	sdelay $0x2  }
.Ltmp1:
0xb4: {  	(pc) =	sbr.rel @p0 .LBB2_4-.Ltmp1, $3  }
0xb5: {  	s23 =	sadd.s32 $0x1, s23  }
0xb6: {  	v1 =	vld [tilespmem:s23+$0x0];
	_ =	sdelay $0x1  }
0xb7: {  	s29 =	sadd.s32 $0x200, s29  }
0xb8: {  	_ =	sdelay $0x1  }
0xb9: {  	(v2sf) =	vpush v1, $0x0;
	_ =	sdelay $0x4  }
0xba: {  	s20 =	sshra.s32 s26, $0x2;
	s3 =	spop (v2sf)  }
0xbb: {  	s7 =	sand.u32 $0x7F, s3;
	s8 =	sadd.s32 $0x20, s3;
	s9 =	sadd.s32 $0x30, s3  }
0xbc: {  	s10 =	sshll.u32 s3, $0x2;
	s3 =	sadd.s32 $0x10, s3;
	s11 =	sand.u32 $0x7F, s9  }
0xbd: {  	s12 =	sand.u32 $0x7F, s8;
	s8 =	sshll.u32 s8, $0x2;
	s9 =	sshll.u32 s9, $0x2  }
0xbe: {  	s10 =	sand.u32 $0xFFFFFE00, s10;
	s7 =	sshll.u32 s7, $0x2;
	s13 =	sand.u32 $0x7F, s3  }
0xbf: {  	s3 =	sshll.u32 s3, $0x2;
	s9 =	sand.u32 $0xFFFFFE00, s9;
	s11 =	sshll.u32 s11, $0x2  }
0xc0: {  	s7 =	sor.u32 s7, s10;
	s8 =	sand.u32 $0xFFFFFE00, s8;
	s15 =	sshll.u32 s12, $0x2  }
0xc1: {  	s3 =	sand.u32 $0xFFFFFE00, s3;
	s16 =	sshll.u32 s13, $0x2;
	s9 =	sor.u32 s11, s9  }
0xc2: {  	s7 =	sshra.s32 s7, $0x2;
	s3 =	sor.u32 s16, s3;
	s8 =	sor.u32 s15, s8  }
0xc3: {  	s7 =	sadd.s32 s20, s7;
	s3 =	sshra.s32 s3, $0x2;
	s8 =	sshra.s32 s8, $0x2  }
0xc4: {  	s3 =	sadd.s32 s20, s3;
	s8 =	sadd.s32 s20, s8;
	s23 =	spop (v2sf)  }
0xc5: {  	s25 =	sand.u32 $0x7F, s23;
	s26 =	sadd.s32 $0x20, s23;
	s13 =	sadd.s32 $0x30, s23  }
0xc6: {  	s14 =	sshll.u32 s23, $0x2;
	s10 =	sadd.s32 $0x10, s23;
	s15 =	sand.u32 $0x7F, s13  }
0xc7: {  	s14 =	sand.u32 $0xFFFFFE00, s14;
	s16 =	sand.u32 $0x7F, s26;
	s12 =	sshll.u32 s26, $0x2  }
0xc8: {  	s11 =	sshll.u32 s25, $0x2;
	s23 =	sand.u32 $0x7F, s10;
	s10 =	sshll.u32 s10, $0x2  }
0xc9: {  	s11 =	sor.u32 s11, s14;
	s10 =	sand.u32 $0xFFFFFE00, s10;
	s31 =	sshll.u32 s23, $0x2  }
0xca: {  	v1 =	vld [tilespmem:s7+$0x1500];
	s14 =	sand.u32 $0xFFFFFE00, s12;
	s11 =	sshra.s32 s11, $0x2;
	s10 =	sor.u32 s31, s10  }
0xcb: {  	v2 =	vld [tilespmem:s3+$0x1500];
	s25 =	sshll.u32 s16, $0x2;
	s7 =	sadd.s32 s20, s11;
	s23 =	sshra.s32 s10, $0x2  }
0xcc: {  	s26 =	sor.u32 s25, s14;
	s31 =	sshll.u32 s13, $0x2;
	v3 =	vld [tilespmem:s7+$0x9500];
	s3 =	sadd.s32 s20, s23  }
0xcd: {  	s12 =	sshll.u32 s15, $0x2;
	s11 =	sand.u32 $0xFFFFFE00, s31;
	s7 =	sshra.s32 s26, $0x2;
	v4 =	vld [tilespmem:s3+$0x9500]  }
0xce: {  	v5 =	vld [tilespmem:s8+$0x1500];
	s13 =	sshra.s32 s9, $0x2;
	s3 =	sadd.s32 s20, s7;
	s7 =	sor.u32 s12, s11  }
0xcf: {  	s14 =	sadd.s32 s20, s13;
	v6 =	vld [tilespmem:s3+$0x9500];
	s7 =	sshra.s32 s7, $0x2  }
0xd0: {  	v7 =	vld [tilespmem:s14+$0x1500];
	s15 =	sadd.s32 s20, s7  }
0xd1: {  	v8 =	vld [tilespmem:s15+$0x9500]  }
0xd2: {  	v1 =	vmul.f32 v3, v1;
	v2 =	vmul.f32 v4, v2;
	_ =	sdelay $0x1  }
0xd3: {  	v1 =	vadd.f32 v2, v1;
	v2 =	vmul.f32 v6, v5;
	_ =	sdelay $0x1  }
0xd4: {  	v1 =	vadd.f32 v2, v1;
	v2 =	vmul.f32 v8, v7;
	_ =	sdelay $0x1  }
0xd5: {  	v1 =	vadd.f32 v2, v1;
	_ =	sdelay $0x1  }
0xd6: {  	(xrf2) =	vadd.scan.msk.f32 $0xffff, v1;
	_ =	sdelay $0x9  }
0xd7: {  	s0 =	sadd.s32 $0x1, s0;
	v1, _, _ =	vpop (xrf2)  }
0xd8: {  	s16 =	simm.s32 $0x1500;
	s20 =	simm.s32 $0x500;
	[tilespmem:s0+$0x0] =	vst.msk vm0, v1  }
0xd9: {  	[tilespmem:s16], [sflag:$0x2] =	stream.indirect.gather [hbm4b:s4+s18], $0x80, s20, s18, $0xb8;
	[tilespmem:$0x19780] =	vst v63  }
0xda: {  	s25 =	simm.s32 $0x700;
	s23 =	simm.s32 $0x9500  }
0xdb: {  	[tilespmem:s23], [sflag:$0x2] =	stream.indirect.gather [hbm4b:s5+s18], $0x80, s25, s18, $0xb8;
	[tilespmem:$0x19780] =	vst v63  }
0xdc: {  	_ =	swait.ge [sflag:s28], $0x4000  }
0xdd: {  	[sflag:s28] =	ssyncset.done $0x0  }
0xde: {  	[sflag:s28] =	ssyncadd.s32 $0xFFFFC000  }
0xdf: {  	_ =	swait.ge [sflag:s28], $0x4000  }
0xe0: {  	[sflag:s28] =	ssyncset.done $0x0  }
0xe1: {  	s26 =	simm.s32 $0x1100;
	[sflag:s28] =	ssyncadd.s32 $0xFFFFC000  }
0xe2: {  	v1 =	vld [tilespmem:s26+$0x0]  }
0xe3: {  	s20 =	simm.s32 $0x1300  }
0xe4: {  	s31 =	simm.s32 $0x0;
	v2 =	vld [tilespmem:s20+$0x0]  }
0xe5: {  	v3 =	vmov s31  }
0xe6: {  	v3 =	vshll.u32 v3, $0x7  }
0xe7: {  	v3 =	vor.u32 v0, v3;
	v62 =	vand.u32 $0xFFFFFF80, v1  }
0xe8: {  	v1 =	vand.u32 $0x7F, v1;
	v4 =	vadd.s32 v3, v62  }
0xe9: {  	v63 =	vand.u32 $0xFFFFFF80, v2;
	v1 =	vor.u32 v1, v4  }
0xea: {  	v2 =	vand.u32 $0x7F, v2;
	v3 =	vadd.s32 v3, v63  }
0xeb: {  	v2 =	vor.u32 v2, v3  }
0xec: {  	s0 =	simm.s32 $0x19500  }
0xed: {  	v3 =	vld [tilespmem:s0+$0x0]  }
0xee: {  	v1 =	vld.idx.msk [tilespmem:v1+s19+$0x0], $0xffff;
	_ =	sdelay $0x1  }
0xef: {  	v2 =	vld.idx.msk [tilespmem:v2+s21+$0x0], $0xffff;
	_ =	sdelay $0x2  }
0xf0: {  	v1 =	vadd.f32 v3, v1;
	_ =	sdelay $0x1  }
0xf1: {  	v1 =	vadd.f32 v1, v2;
	_ =	sdelay $0x1  }
0xf2: {  	v1 =	vadd.f32 $3.500000000e+00, v1;
	_ =	sdelay $0x1  }
0xf3: {  	s26 =	simm.s32 $0x1110;
	[tilespmem:s0+$0x0] =	vst v1  }
0xf4: {  	s29 =	simm.s32 $0x20;
	s23 =	simm.s32 $0x10;
	v1 =	vld [tilespmem:s26+$0x0]  }
.LBB2_6:
0xf5: {  	p0 =	sne.s32 s29, $0x70;
	s20 =	sadd.s32 $0x10, s20  }
0xf6: {  	v2 =	vld [tilespmem:s20+$0x0]  }
0xf7: {  	v3 =	vmov s23;
	s23 =	smov.u32 s29  }
0xf8: {  	v3 =	vshll.u32 v3, $0x7  }
0xf9: {  	v3 =	vor.u32 v0, v3;
	v4 =	vand.u32 $0xFFFFFF80, v1  }
0xfa: {  	v1 =	vand.u32 $0x7F, v1;
	v4 =	vadd.s32 v3, v4  }
0xfb: {  	v1 =	vor.u32 v1, v4;
	v4 =	vand.u32 $0xFFFFFF80, v2  }
0xfc: {  	v2 =	vand.u32 $0x7F, v2;
	v3 =	vadd.s32 v3, v4  }
0xfd: {  	v2 =	vor.u32 v2, v3;
	_ =	sdelay $0x2  }
0xfe: {  	s0 =	sadd.s32 $0x10, s0;
	v1 =	vld.idx.msk [tilespmem:v1+s19+$0x0], $0xffff  }
0xff: {  	v3 =	vld [tilespmem:s0+$0x0]  }
0x100: {  	v2 =	vld.idx.msk [tilespmem:v2+s21+$0x0], $0xffff;
	_ =	sdelay $0x3  }
0x101: {  	v1 =	vadd.f32 v3, v1;
	_ =	sdelay $0x1  }
0x102: {  	v1 =	vadd.f32 v1, v2  }
.Ltmp2:
0x103: {  	(pc) =	sbr.rel @p0 .LBB2_6-.Ltmp2, $3  }
0x104: {  	v1 =	vadd.f32 $3.500000000e+00, v1;
	_ =	sdelay $0x1  }
0x105: {  	s26 =	sadd.s32 $0x10, s26;
	[tilespmem:s0+$0x0] =	vst v1  }
0x106: {  	s29 =	sadd.s32 $0x10, s29;
	v1 =	vld [tilespmem:s26+$0x0]  }
0x107: {  	s3 =	sadd.s32 $0x10, s20  }
0x108: {  	v2 =	vld [tilespmem:s3+$0x0]  }
0x109: {  	v3 =	vmov s23  }
0x10a: {  	v3 =	vshll.u32 v3, $0x7  }
0x10b: {  	v3 =	vor.u32 v0, v3;
	v4 =	vand.u32 $0xFFFFFF80, v1  }
0x10c: {  	v1 =	vand.u32 $0x7F, v1;
	v4 =	vadd.s32 v3, v4  }
0x10d: {  	v1 =	vor.u32 v1, v4;
	v62 =	vand.u32 $0xFFFFFF80, v2  }
0x10e: {  	v2 =	vand.u32 $0x7F, v2;
	v3 =	vadd.s32 v3, v62  }
0x10f: {  	v2 =	vor.u32 v2, v3  }
0x110: {  	s0 =	sadd.s32 $0x10, s0  }
0x111: {  	v3 =	vld [tilespmem:s0+$0x0]  }
0x112: {  	v1 =	vld.idx.msk [tilespmem:v1+s19+$0x0], $0xffff;
	_ =	sdelay $0x1  }
0x113: {  	v2 =	vld.idx.msk [tilespmem:v2+s21+$0x0], $0xffff;
	_ =	sdelay $0x2  }
0x114: {  	v1 =	vadd.f32 v3, v1;
	_ =	sdelay $0x1  }
0x115: {  	v1 =	vadd.f32 v1, v2;
	_ =	sdelay $0x1  }
0x116: {  	v1 =	vadd.f32 $3.500000000e+00, v1;
	_ =	sdelay $0x1  }
0x117: {  	s7 =	simm.s32 $0x880;
	[tilespmem:s0+$0x0] =	vst v1  }
0x118: {  	[tilespmem:s19], [sflag:$0x4] =	stream.indirect.gather [hbm4b:s1+s18], $0x80, s7, s18, $0xb8;
	[tilespmem:$0x19780] =	vst v63  }
0x119: {  	s8 =	simm.s32 $0xA80  }
0x11a: {  	[tilespmem:s21], [sflag:$0x4] =	stream.indirect.gather [hbm4b:s6+s18], $0x80, s8, s18, $0xb8;
	[tilespmem:$0x19780] =	vst v63  }
0x11b: {  	_ =	swait.ge [sflag:s17], $0x4000  }
0x11c: {  	[sflag:s17] =	ssyncset.done $0x0  }
0x11d: {  	[sflag:s17] =	ssyncadd.s32 $0xFFFFC000  }
0x11e: {  	_ =	swait.ge [sflag:s17], $0x4000  }
0x11f: {  	[sflag:s17] =	ssyncset.done $0x0  }
0x120: {  	s9 =	simm.s32 $0xC80;
	[sflag:s17] =	ssyncadd.s32 $0xFFFFC000  }
0x121: {  	v1 =	vld [tilespmem:s9+$0x0];
	_ =	sdelay $0x4  }
0x122: {  	(v2sf) =	vpush v1, $0x0;
	_ =	sdelay $0x3  }
0x123: {  	s10 =	simm.s32 $0xF00  }
0x124: {  	v1 =	vld [tilespmem:s10+$0x0];
	_ =	sdelay $0x4  }
0x125: {  	(v2sf) =	vpush v1, $0x0;
	_ =	sdelay $0x4  }
0x126: {  	s11 =	spop (v2sf)  }
0x127: {  	s12 =	sand.u32 $0x7F, s11;
	s7 =	sadd.s32 $0x20, s11;
	s8 =	sadd.s32 $0x30, s11  }
0x128: {  	s9 =	sshll.u32 s11, $0x2;
	s0 =	sadd.s32 $0x10, s11;
	s10 =	sand.u32 $0x7F, s8  }
0x129: {  	s11 =	sand.u32 $0x7F, s7;
	s7 =	sshll.u32 s7, $0x2;
	s8 =	sshll.u32 s8, $0x2  }
0x12a: {  	s9 =	sand.u32 $0xFFFFFE00, s9;
	s3 =	sshll.u32 s12, $0x2;
	s12 =	sand.u32 $0x7F, s0  }
0x12b: {  	s0 =	sshll.u32 s0, $0x2;
	s8 =	sand.u32 $0xFFFFFE00, s8;
	s10 =	sshll.u32 s10, $0x2  }
0x12c: {  	s3 =	sor.u32 s3, s9;
	s7 =	sand.u32 $0xFFFFFE00, s7;
	s13 =	sshll.u32 s11, $0x2  }
0x12d: {  	s0 =	sand.u32 $0xFFFFFE00, s0;
	s14 =	sshll.u32 s12, $0x2;
	s8 =	sor.u32 s10, s8  }
0x12e: {  	s3 =	sshra.s32 s3, $0x2;
	s0 =	sor.u32 s14, s0;
	s7 =	sor.u32 s13, s7  }
0x12f: {  	s3 =	sadd.s32 $0x0, s3;
	s0 =	sshra.s32 s0, $0x2;
	s7 =	sshra.s32 s7, $0x2  }
0x130: {  	s15 =	spop (v2sf);
	s0 =	sadd.s32 $0x0, s0;
	s7 =	sadd.s32 $0x0, s7  }
0x131: {  	s16 =	sand.u32 $0x7F, s15;
	s20 =	sadd.s32 $0x20, s15;
	s23 =	sadd.s32 $0x30, s15  }
0x132: {  	s13 =	sshll.u32 s15, $0x2;
	s9 =	sadd.s32 $0x10, s15;
	s14 =	sand.u32 $0x7F, s23  }
0x133: {  	s13 =	sand.u32 $0xFFFFFE00, s13;
	s15 =	sand.u32 $0x7F, s20;
	s11 =	sshll.u32 s20, $0x2  }
0x134: {  	s10 =	sshll.u32 s16, $0x2;
	s16 =	sand.u32 $0x7F, s9;
	s9 =	sshll.u32 s9, $0x2  }
0x135: {  	s10 =	sor.u32 s10, s13;
	s9 =	sand.u32 $0xFFFFFE00, s9;
	s25 =	sshll.u32 s16, $0x2  }
0x136: {  	v1 =	vld [tilespmem:s3+$0x5500];
	s31 =	sand.u32 $0xFFFFFE00, s11;
	s26 =	sshra.s32 s10, $0x2;
	s9 =	sor.u32 s25, s9  }
0x137: {  	v2 =	vld [tilespmem:s0+$0x5500];
	s11 =	sshll.u32 s15, $0x2;
	s3 =	sadd.s32 $0x0, s26;
	s9 =	sshra.s32 s9, $0x2  }
0x138: {  	s15 =	sshll.u32 s23, $0x2;
	s13 =	sor.u32 s11, s31;
	v3 =	vld [tilespmem:s3+$0xD500];
	s0 =	sadd.s32 $0x0, s9  }
0x139: {  	s23 =	sshll.u32 s14, $0x2;
	s20 =	sand.u32 $0xFFFFFE00, s15;
	s16 =	sshra.s32 s13, $0x2;
	v63 =	vld [tilespmem:s0+$0xD500]  }
0x13a: {  	v5 =	vld [tilespmem:s7+$0x5500];
	s25 =	sshra.s32 s8, $0x2;
	s3 =	sor.u32 s23, s20;
	s0 =	sadd.s32 $0x0, s16  }
0x13b: {  	s26 =	sadd.s32 $0x0, s25;
	s3 =	sshra.s32 s3, $0x2;
	v6 =	vld [tilespmem:s0+$0xD500]  }
0x13c: {  	v7 =	vld [tilespmem:s26+$0x5500];
	s31 =	sadd.s32 $0x0, s3  }
0x13d: {  	v8 =	vld [tilespmem:s31+$0xD500]  }
0x13e: {  	v1 =	vmul.f32 v3, v1;
	v2 =	vmul.f32 v63, v2;
	_ =	sdelay $0x1  }
0x13f: {  	v1 =	vadd.f32 v2, v1;
	v2 =	vmul.f32 v6, v5;
	_ =	sdelay $0x1  }
0x140: {  	v1 =	vadd.f32 v2, v1;
	v2 =	vmul.f32 v8, v7;
	_ =	sdelay $0x1  }
0x141: {  	v1 =	vadd.f32 v2, v1;
	_ =	sdelay $0x1  }
0x142: {  	(xrf2) =	vadd.scan.msk.f32 $0xffff, v1;
	_ =	sdelay $0x9  }
0x143: {  	s0 =	simm.s32 $0x19580;
	v1, _, _ =	vpop (xrf2)  }
0x144: {  	s20 =	simm.s32 $0xC81;
	[tilespmem:s0+$0x0] =	vst.msk vm0, v1  }
0x145: {  	v1 =	vld [tilespmem:s20+$0x0];
	_ =	sdelay $0x4  }
0x146: {  	(v2sf) =	vpush v1, $0x0;
	_ =	sdelay $0x3  }
0x147: {  	s23 =	simm.s32 $0xF01  }
0x148: {  	v1 =	vld [tilespmem:s23+$0x0];
	_ =	sdelay $0x1  }
0x149: {  	s29 =	simm.s32 $0x400;
	s26 =	simm.s32 $0x200  }
.LBB2_8:
0x14a: {  	p0 =	sne.s32 s29, $0xFE00;
	_ =	sdelay $0x1  }
0x14b: {  	(v2sf) =	vpush v1, $0x0;
	_ =	sdelay $0x4  }
0x14c: {  	s31 =	sshra.s32 s26, $0x2;
	s26 =	smov.u32 s29;
	s3 =	spop (v2sf)  }
0x14d: {  	s7 =	sand.u32 $0x7F, s3;
	s8 =	sadd.s32 $0x20, s3;
	s9 =	sadd.s32 $0x30, s3  }
0x14e: {  	s10 =	sshll.u32 s3, $0x2;
	s3 =	sadd.s32 $0x10, s3;
	s11 =	sand.u32 $0x7F, s9  }
0x14f: {  	s12 =	sand.u32 $0x7F, s8;
	s8 =	sshll.u32 s8, $0x2;
	s9 =	sshll.u32 s9, $0x2  }
0x150: {  	s10 =	sand.u32 $0xFFFFFE00, s10;
	s7 =	sshll.u32 s7, $0x2;
	s13 =	sand.u32 $0x7F, s3  }
0x151: {  	s3 =	sshll.u32 s3, $0x2;
	s9 =	sand.u32 $0xFFFFFE00, s9;
	s11 =	sshll.u32 s11, $0x2  }
0x152: {  	s7 =	sor.u32 s7, s10;
	s8 =	sand.u32 $0xFFFFFE00, s8;
	s10 =	sshll.u32 s12, $0x2  }
0x153: {  	s3 =	sand.u32 $0xFFFFFE00, s3;
	s12 =	sshll.u32 s13, $0x2;
	s9 =	sor.u32 s11, s9  }
0x154: {  	s7 =	sshra.s32 s7, $0x2;
	s3 =	sor.u32 s12, s3;
	s8 =	sor.u32 s10, s8  }
0x155: {  	s7 =	sadd.s32 s31, s7;
	s3 =	sshra.s32 s3, $0x2;
	s8 =	sshra.s32 s8, $0x2  }
0x156: {  	s3 =	sadd.s32 s31, s3;
	s8 =	sadd.s32 s31, s8;
	s10 =	spop (v2sf)  }
0x157: {  	s11 =	sand.u32 $0x7F, s10;
	s12 =	sadd.s32 $0x20, s10;
	s13 =	sadd.s32 $0x30, s10  }
0x158: {  	s14 =	sshll.u32 s10, $0x2;
	s10 =	sadd.s32 $0x10, s10;
	s15 =	sand.u32 $0x7F, s13  }
0x159: {  	s14 =	sand.u32 $0xFFFFFE00, s14;
	s16 =	sand.u32 $0x7F, s12;
	s12 =	sshll.u32 s12, $0x2  }
0x15a: {  	s11 =	sshll.u32 s11, $0x2;
	s25 =	sand.u32 $0x7F, s10;
	s10 =	sshll.u32 s10, $0x2  }
0x15b: {  	s11 =	sor.u32 s11, s14;
	s10 =	sand.u32 $0xFFFFFE00, s10;
	s14 =	sshll.u32 s25, $0x2  }
0x15c: {  	s10 =	sor.u32 s14, s10;
	v1 =	vld [tilespmem:s7+$0x5500];
	s7 =	sshra.s32 s11, $0x2;
	s11 =	sand.u32 $0xFFFFFE00, s12  }
0x15d: {  	s7 =	sadd.s32 s31, s7;
	v2 =	vld [tilespmem:s3+$0x5500];
	s3 =	sshra.s32 s10, $0x2;
	s10 =	sshll.u32 s16, $0x2  }
0x15e: {  	v3 =	vld [tilespmem:s7+$0xD500];
	s3 =	sadd.s32 s31, s3;
	s7 =	sor.u32 s10, s11;
	s10 =	sshll.u32 s13, $0x2  }
0x15f: {  	v4 =	vld [tilespmem:s3+$0xD500];
	s3 =	sshra.s32 s7, $0x2;
	s7 =	sand.u32 $0xFFFFFE00, s10;
	s10 =	sshll.u32 s15, $0x2  }
0x160: {  	v5 =	vld [tilespmem:s8+$0x5500];
	s3 =	sadd.s32 s31, s3;
	s8 =	sshra.s32 s9, $0x2;
	s7 =	sor.u32 s10, s7  }
0x161: {  	v6 =	vld [tilespmem:s3+$0xD500];
	s3 =	sadd.s32 s31, s8;
	s7 =	sshra.s32 s7, $0x2  }
0x162: {  	v7 =	vld [tilespmem:s3+$0x5500];
	s3 =	sadd.s32 s31, s7  }
0x163: {  	v8 =	vld [tilespmem:s3+$0xD500]  }
0x164: {  	v1 =	vmul.f32 v3, v1;
	v2 =	vmul.f32 v4, v2;
	_ =	sdelay $0x1  }
0x165: {  	v1 =	vadd.f32 v2, v1;
	v2 =	vmul.f32 v6, v5;
	_ =	sdelay $0x1  }
0x166: {  	v1 =	vadd.f32 v2, v1;
	v2 =	vmul.f32 v8, v7;
	_ =	sdelay $0x1  }
0x167: {  	v1 =	vadd.f32 v2, v1;
	_ =	sdelay $0x1  }
0x168: {  	(xrf2) =	vadd.scan.msk.f32 $0xffff, v1;
	_ =	sdelay $0x9  }
0x169: {  	s0 =	sadd.s32 $0x1, s0;
	v1, _, _ =	vpop (xrf2)  }
0x16a: {  	s20 =	sadd.s32 $0x1, s20;
	[tilespmem:s0+$0x0] =	vst.msk vm0, v1  }
0x16b: {  	v1 =	vld [tilespmem:s20+$0x0];
	_ =	sdelay $0x4  }
0x16c: {  	(v2sf) =	vpush v1, $0x0;
	_ =	sdelay $0x2  }
.Ltmp3:
0x16d: {  	(pc) =	sbr.rel @p0 .LBB2_8-.Ltmp3, $3  }
0x16e: {  	s23 =	sadd.s32 $0x1, s23  }
0x16f: {  	v1 =	vld [tilespmem:s23+$0x0];
	_ =	sdelay $0x1  }
0x170: {  	s29 =	sadd.s32 $0x200, s29  }
0x171: {  	_ =	sdelay $0x1  }
0x172: {  	(v2sf) =	vpush v1, $0x0;
	_ =	sdelay $0x4  }
0x173: {  	s20 =	sshra.s32 s26, $0x2;
	s3 =	spop (v2sf)  }
0x174: {  	s7 =	sand.u32 $0x7F, s3;
	s8 =	sadd.s32 $0x20, s3;
	s9 =	sadd.s32 $0x30, s3  }
0x175: {  	s10 =	sshll.u32 s3, $0x2;
	s3 =	sadd.s32 $0x10, s3;
	s11 =	sand.u32 $0x7F, s9  }
0x176: {  	s12 =	sand.u32 $0x7F, s8;
	s8 =	sshll.u32 s8, $0x2;
	s9 =	sshll.u32 s9, $0x2  }
0x177: {  	s10 =	sand.u32 $0xFFFFFE00, s10;
	s7 =	sshll.u32 s7, $0x2;
	s13 =	sand.u32 $0x7F, s3  }
0x178: {  	s3 =	sshll.u32 s3, $0x2;
	s9 =	sand.u32 $0xFFFFFE00, s9;
	s11 =	sshll.u32 s11, $0x2  }
0x179: {  	s7 =	sor.u32 s7, s10;
	s8 =	sand.u32 $0xFFFFFE00, s8;
	s15 =	sshll.u32 s12, $0x2  }
0x17a: {  	s3 =	sand.u32 $0xFFFFFE00, s3;
	s16 =	sshll.u32 s13, $0x2;
	s9 =	sor.u32 s11, s9  }
0x17b: {  	s7 =	sshra.s32 s7, $0x2;
	s3 =	sor.u32 s16, s3;
	s8 =	sor.u32 s15, s8  }
0x17c: {  	s7 =	sadd.s32 s20, s7;
	s3 =	sshra.s32 s3, $0x2;
	s8 =	sshra.s32 s8, $0x2  }
0x17d: {  	s3 =	sadd.s32 s20, s3;
	s8 =	sadd.s32 s20, s8;
	s23 =	spop (v2sf)  }
0x17e: {  	s25 =	sand.u32 $0x7F, s23;
	s26 =	sadd.s32 $0x20, s23;
	s13 =	sadd.s32 $0x30, s23  }
0x17f: {  	s14 =	sshll.u32 s23, $0x2;
	s10 =	sadd.s32 $0x10, s23;
	s15 =	sand.u32 $0x7F, s13  }
0x180: {  	s14 =	sand.u32 $0xFFFFFE00, s14;
	s16 =	sand.u32 $0x7F, s26;
	s12 =	sshll.u32 s26, $0x2  }
0x181: {  	s11 =	sshll.u32 s25, $0x2;
	s23 =	sand.u32 $0x7F, s10;
	s10 =	sshll.u32 s10, $0x2  }
0x182: {  	s11 =	sor.u32 s11, s14;
	s10 =	sand.u32 $0xFFFFFE00, s10;
	s31 =	sshll.u32 s23, $0x2  }
0x183: {  	v1 =	vld [tilespmem:s7+$0x5500];
	s14 =	sand.u32 $0xFFFFFE00, s12;
	s11 =	sshra.s32 s11, $0x2;
	s10 =	sor.u32 s31, s10  }
0x184: {  	v2 =	vld [tilespmem:s3+$0x5500];
	s25 =	sshll.u32 s16, $0x2;
	s7 =	sadd.s32 s20, s11;
	s23 =	sshra.s32 s10, $0x2  }
0x185: {  	s26 =	sor.u32 s25, s14;
	s31 =	sshll.u32 s13, $0x2;
	v3 =	vld [tilespmem:s7+$0xD500];
	s3 =	sadd.s32 s20, s23  }
0x186: {  	s12 =	sshll.u32 s15, $0x2;
	s11 =	sand.u32 $0xFFFFFE00, s31;
	s7 =	sshra.s32 s26, $0x2;
	v4 =	vld [tilespmem:s3+$0xD500]  }
0x187: {  	v5 =	vld [tilespmem:s8+$0x5500];
	s13 =	sshra.s32 s9, $0x2;
	s3 =	sadd.s32 s20, s7;
	s7 =	sor.u32 s12, s11  }
0x188: {  	s14 =	sadd.s32 s20, s13;
	v6 =	vld [tilespmem:s3+$0xD500];
	s7 =	sshra.s32 s7, $0x2  }
0x189: {  	v7 =	vld [tilespmem:s14+$0x5500];
	s15 =	sadd.s32 s20, s7  }
0x18a: {  	v8 =	vld [tilespmem:s15+$0xD500]  }
0x18b: {  	v1 =	vmul.f32 v3, v1;
	v2 =	vmul.f32 v4, v2;
	_ =	sdelay $0x1  }
0x18c: {  	v1 =	vadd.f32 v2, v1;
	v2 =	vmul.f32 v6, v5;
	_ =	sdelay $0x1  }
0x18d: {  	v1 =	vadd.f32 v2, v1;
	v2 =	vmul.f32 v8, v7;
	_ =	sdelay $0x1  }
0x18e: {  	v1 =	vadd.f32 v2, v1;
	_ =	sdelay $0x1  }
0x18f: {  	(xrf2) =	vadd.scan.msk.f32 $0xffff, v1;
	_ =	sdelay $0x9  }
0x190: {  	s0 =	sadd.s32 $0x1, s0;
	v1, _, _ =	vpop (xrf2)  }
0x191: {  	s16 =	simm.s32 $0x5500;
	s20 =	simm.s32 $0x580;
	[tilespmem:s0+$0x0] =	vst.msk vm0, v1  }
0x192: {  	[tilespmem:s16], [sflag:$0x3] =	stream.indirect.gather [hbm4b:s4+s18], $0x80, s20, s18, $0xb8;
	[tilespmem:$0x19780] =	vst v63  }
0x193: {  	s25 =	simm.s32 $0x780;
	s23 =	simm.s32 $0xD500  }
0x194: {  	[tilespmem:s23], [sflag:$0x3] =	stream.indirect.gather [hbm4b:s5+s18], $0x80, s25, s18, $0xb8;
	[tilespmem:$0x19780] =	vst v63  }
0x195: {  	_ =	swait.ge [sflag:s28], $0x4000  }
0x196: {  	[sflag:s28] =	ssyncset.done $0x0  }
0x197: {  	[sflag:s28] =	ssyncadd.s32 $0xFFFFC000  }
0x198: {  	_ =	swait.ge [sflag:s28], $0x4000  }
0x199: {  	[sflag:s28] =	ssyncset.done $0x0  }
0x19a: {  	s26 =	simm.s32 $0x1180;
	[sflag:s28] =	ssyncadd.s32 $0xFFFFC000  }
0x19b: {  	v1 =	vld [tilespmem:s26+$0x0]  }
0x19c: {  	s20 =	simm.s32 $0x1380  }
0x19d: {  	s31 =	simm.s32 $0x0;
	v2 =	vld [tilespmem:s20+$0x0]  }
0x19e: {  	v3 =	vmov s31  }
0x19f: {  	v3 =	vshll.u32 v3, $0x7  }
0x1a0: {  	v3 =	vor.u32 v0, v3;
	v62 =	vand.u32 $0xFFFFFF80, v1  }
0x1a1: {  	v1 =	vand.u32 $0x7F, v1;
	v4 =	vadd.s32 v3, v62  }
0x1a2: {  	v63 =	vand.u32 $0xFFFFFF80, v2;
	v1 =	vor.u32 v1, v4  }
0x1a3: {  	v2 =	vand.u32 $0x7F, v2;
	v3 =	vadd.s32 v3, v63  }
0x1a4: {  	v2 =	vor.u32 v2, v3  }
0x1a5: {  	s0 =	simm.s32 $0x19580  }
0x1a6: {  	v3 =	vld [tilespmem:s0+$0x0]  }
0x1a7: {  	v1 =	vld.idx.msk [tilespmem:v1+s19+$0x0], $0xffff;
	_ =	sdelay $0x1  }
0x1a8: {  	v2 =	vld.idx.msk [tilespmem:v2+s21+$0x0], $0xffff;
	_ =	sdelay $0x2  }
0x1a9: {  	v1 =	vadd.f32 v3, v1;
	_ =	sdelay $0x1  }
0x1aa: {  	v1 =	vadd.f32 v1, v2;
	_ =	sdelay $0x1  }
0x1ab: {  	v1 =	vadd.f32 $3.500000000e+00, v1;
	_ =	sdelay $0x1  }
0x1ac: {  	s26 =	simm.s32 $0x1190;
	[tilespmem:s0+$0x0] =	vst v1  }
0x1ad: {  	s29 =	simm.s32 $0x20;
	s23 =	simm.s32 $0x10;
	v1 =	vld [tilespmem:s26+$0x0]  }
.LBB2_10:
0x1ae: {  	p0 =	sne.s32 s29, $0x70;
	s20 =	sadd.s32 $0x10, s20  }
0x1af: {  	v2 =	vld [tilespmem:s20+$0x0]  }
0x1b0: {  	v3 =	vmov s23;
	s23 =	smov.u32 s29  }
0x1b1: {  	v3 =	vshll.u32 v3, $0x7  }
0x1b2: {  	v3 =	vor.u32 v0, v3;
	v4 =	vand.u32 $0xFFFFFF80, v1  }
0x1b3: {  	v1 =	vand.u32 $0x7F, v1;
	v4 =	vadd.s32 v3, v4  }
0x1b4: {  	v1 =	vor.u32 v1, v4;
	v4 =	vand.u32 $0xFFFFFF80, v2  }
0x1b5: {  	v2 =	vand.u32 $0x7F, v2;
	v3 =	vadd.s32 v3, v4  }
0x1b6: {  	v2 =	vor.u32 v2, v3;
	_ =	sdelay $0x2  }
0x1b7: {  	s0 =	sadd.s32 $0x10, s0;
	v1 =	vld.idx.msk [tilespmem:v1+s19+$0x0], $0xffff  }
0x1b8: {  	v3 =	vld [tilespmem:s0+$0x0]  }
0x1b9: {  	v2 =	vld.idx.msk [tilespmem:v2+s21+$0x0], $0xffff;
	_ =	sdelay $0x3  }
0x1ba: {  	v1 =	vadd.f32 v3, v1;
	_ =	sdelay $0x1  }
0x1bb: {  	v1 =	vadd.f32 v1, v2  }
.Ltmp4:
0x1bc: {  	(pc) =	sbr.rel @p0 .LBB2_10-.Ltmp4, $3  }
0x1bd: {  	v1 =	vadd.f32 $3.500000000e+00, v1;
	_ =	sdelay $0x1  }
0x1be: {  	s26 =	sadd.s32 $0x10, s26;
	[tilespmem:s0+$0x0] =	vst v1  }
0x1bf: {  	s29 =	sadd.s32 $0x10, s29;
	v1 =	vld [tilespmem:s26+$0x0]  }
0x1c0: {  	s3 =	sadd.s32 $0x10, s20  }
0x1c1: {  	v2 =	vld [tilespmem:s3+$0x0]  }
0x1c2: {  	v3 =	vmov s23  }
0x1c3: {  	v3 =	vshll.u32 v3, $0x7  }
0x1c4: {  	v3 =	vor.u32 v0, v3;
	v4 =	vand.u32 $0xFFFFFF80, v1  }
0x1c5: {  	v1 =	vand.u32 $0x7F, v1;
	v4 =	vadd.s32 v3, v4  }
0x1c6: {  	v1 =	vor.u32 v1, v4;
	v62 =	vand.u32 $0xFFFFFF80, v2  }
0x1c7: {  	v2 =	vand.u32 $0x7F, v2;
	v3 =	vadd.s32 v3, v62  }
0x1c8: {  	v2 =	vor.u32 v2, v3  }
0x1c9: {  	s0 =	sadd.s32 $0x10, s0  }
0x1ca: {  	v3 =	vld [tilespmem:s0+$0x0]  }
0x1cb: {  	v1 =	vld.idx.msk [tilespmem:v1+s19+$0x0], $0xffff;
	_ =	sdelay $0x1  }
0x1cc: {  	v2 =	vld.idx.msk [tilespmem:v2+s21+$0x0], $0xffff;
	_ =	sdelay $0x2  }
0x1cd: {  	v1 =	vadd.f32 v3, v1;
	_ =	sdelay $0x1  }
0x1ce: {  	v1 =	vadd.f32 v1, v2;
	_ =	sdelay $0x1  }
0x1cf: {  	v1 =	vadd.f32 $3.500000000e+00, v1;
	_ =	sdelay $0x1  }
0x1d0: {  	s7 =	simm.s32 $0x900;
	[tilespmem:s0+$0x0] =	vst v1  }
0x1d1: {  	[tilespmem:s19], [sflag:$0x4] =	stream.indirect.gather [hbm4b:s1+s18], $0x80, s7, s18, $0xb8;
	[tilespmem:$0x19780] =	vst v63  }
0x1d2: {  	s8 =	simm.s32 $0xB00  }
0x1d3: {  	[tilespmem:s21], [sflag:$0x4] =	stream.indirect.gather [hbm4b:s6+s18], $0x80, s8, s18, $0xb8;
	[tilespmem:$0x19780] =	vst v63  }
0x1d4: {  	_ =	swait.ge [sflag:s22], $0x4000  }
0x1d5: {  	[sflag:s22] =	ssyncset.done $0x0  }
0x1d6: {  	[sflag:s22] =	ssyncadd.s32 $0xFFFFC000  }
0x1d7: {  	_ =	swait.ge [sflag:s22], $0x4000  }
0x1d8: {  	[sflag:s22] =	ssyncset.done $0x0  }
0x1d9: {  	s9 =	simm.s32 $0xD00;
	[sflag:s22] =	ssyncadd.s32 $0xFFFFC000  }
0x1da: {  	v1 =	vld [tilespmem:s9+$0x0];
	_ =	sdelay $0x4  }
0x1db: {  	(v2sf) =	vpush v1, $0x0;
	_ =	sdelay $0x3  }
0x1dc: {  	s10 =	simm.s32 $0xF80  }
0x1dd: {  	v1 =	vld [tilespmem:s10+$0x0];
	_ =	sdelay $0x4  }
0x1de: {  	(v2sf) =	vpush v1, $0x0;
	_ =	sdelay $0x4  }
0x1df: {  	s11 =	spop (v2sf)  }
0x1e0: {  	s12 =	sand.u32 $0x7F, s11;
	s7 =	sadd.s32 $0x20, s11;
	s8 =	sadd.s32 $0x30, s11  }
0x1e1: {  	s9 =	sshll.u32 s11, $0x2;
	s0 =	sadd.s32 $0x10, s11;
	s10 =	sand.u32 $0x7F, s8  }
0x1e2: {  	s11 =	sand.u32 $0x7F, s7;
	s7 =	sshll.u32 s7, $0x2;
	s8 =	sshll.u32 s8, $0x2  }
0x1e3: {  	s9 =	sand.u32 $0xFFFFFE00, s9;
	s3 =	sshll.u32 s12, $0x2;
	s12 =	sand.u32 $0x7F, s0  }
0x1e4: {  	s0 =	sshll.u32 s0, $0x2;
	s8 =	sand.u32 $0xFFFFFE00, s8;
	s10 =	sshll.u32 s10, $0x2  }
0x1e5: {  	s3 =	sor.u32 s3, s9;
	s7 =	sand.u32 $0xFFFFFE00, s7;
	s13 =	sshll.u32 s11, $0x2  }
0x1e6: {  	s0 =	sand.u32 $0xFFFFFE00, s0;
	s14 =	sshll.u32 s12, $0x2;
	s8 =	sor.u32 s10, s8  }
0x1e7: {  	s3 =	sshra.s32 s3, $0x2;
	s0 =	sor.u32 s14, s0;
	s7 =	sor.u32 s13, s7  }
0x1e8: {  	s3 =	sadd.s32 $0x0, s3;
	s0 =	sshra.s32 s0, $0x2;
	s7 =	sshra.s32 s7, $0x2  }
0x1e9: {  	s15 =	spop (v2sf);
	s0 =	sadd.s32 $0x0, s0;
	s7 =	sadd.s32 $0x0, s7  }
0x1ea: {  	s16 =	sand.u32 $0x7F, s15;
	s20 =	sadd.s32 $0x20, s15;
	s23 =	sadd.s32 $0x30, s15  }
0x1eb: {  	s13 =	sshll.u32 s15, $0x2;
	s9 =	sadd.s32 $0x10, s15;
	s14 =	sand.u32 $0x7F, s23  }
0x1ec: {  	s13 =	sand.u32 $0xFFFFFE00, s13;
	s15 =	sand.u32 $0x7F, s20;
	s11 =	sshll.u32 s20, $0x2  }
0x1ed: {  	s10 =	sshll.u32 s16, $0x2;
	s16 =	sand.u32 $0x7F, s9;
	s9 =	sshll.u32 s9, $0x2  }
0x1ee: {  	s10 =	sor.u32 s10, s13;
	s9 =	sand.u32 $0xFFFFFE00, s9;
	s25 =	sshll.u32 s16, $0x2  }
0x1ef: {  	v1 =	vld [tilespmem:s3+$0x1500];
	s31 =	sand.u32 $0xFFFFFE00, s11;
	s26 =	sshra.s32 s10, $0x2;
	s9 =	sor.u32 s25, s9  }
0x1f0: {  	v2 =	vld [tilespmem:s0+$0x1500];
	s11 =	sshll.u32 s15, $0x2;
	s3 =	sadd.s32 $0x0, s26;
	s9 =	sshra.s32 s9, $0x2  }
0x1f1: {  	s15 =	sshll.u32 s23, $0x2;
	s13 =	sor.u32 s11, s31;
	v3 =	vld [tilespmem:s3+$0x9500];
	s0 =	sadd.s32 $0x0, s9  }
0x1f2: {  	s23 =	sshll.u32 s14, $0x2;
	s20 =	sand.u32 $0xFFFFFE00, s15;
	s16 =	sshra.s32 s13, $0x2;
	v63 =	vld [tilespmem:s0+$0x9500]  }
0x1f3: {  	v5 =	vld [tilespmem:s7+$0x1500];
	s25 =	sshra.s32 s8, $0x2;
	s3 =	sor.u32 s23, s20;
	s0 =	sadd.s32 $0x0, s16  }
0x1f4: {  	s26 =	sadd.s32 $0x0, s25;
	s3 =	sshra.s32 s3, $0x2;
	v6 =	vld [tilespmem:s0+$0x9500]  }
0x1f5: {  	v7 =	vld [tilespmem:s26+$0x1500];
	s31 =	sadd.s32 $0x0, s3  }
0x1f6: {  	v8 =	vld [tilespmem:s31+$0x9500]  }
0x1f7: {  	v1 =	vmul.f32 v3, v1;
	v2 =	vmul.f32 v63, v2;
	_ =	sdelay $0x1  }
0x1f8: {  	v1 =	vadd.f32 v2, v1;
	v2 =	vmul.f32 v6, v5;
	_ =	sdelay $0x1  }
0x1f9: {  	v1 =	vadd.f32 v2, v1;
	v2 =	vmul.f32 v8, v7;
	_ =	sdelay $0x1  }
0x1fa: {  	v1 =	vadd.f32 v2, v1;
	_ =	sdelay $0x1  }
0x1fb: {  	(xrf2) =	vadd.scan.msk.f32 $0xffff, v1;
	_ =	sdelay $0x9  }
0x1fc: {  	s0 =	simm.s32 $0x19600;
	v1, _, _ =	vpop (xrf2)  }
0x1fd: {  	s20 =	simm.s32 $0xD01;
	[tilespmem:s0+$0x0] =	vst.msk vm0, v1  }
0x1fe: {  	v1 =	vld [tilespmem:s20+$0x0];
	_ =	sdelay $0x4  }
0x1ff: {  	(v2sf) =	vpush v1, $0x0;
	_ =	sdelay $0x3  }
0x200: {  	s23 =	simm.s32 $0xF81  }
0x201: {  	v1 =	vld [tilespmem:s23+$0x0];
	_ =	sdelay $0x1  }
0x202: {  	s29 =	simm.s32 $0x400;
	s26 =	simm.s32 $0x200  }
.LBB2_12:
0x203: {  	p0 =	sne.s32 s29, $0xFE00;
	_ =	sdelay $0x1  }
0x204: {  	(v2sf) =	vpush v1, $0x0;
	_ =	sdelay $0x4  }
0x205: {  	s31 =	sshra.s32 s26, $0x2;
	s26 =	smov.u32 s29;
	s3 =	spop (v2sf)  }
0x206: {  	s7 =	sand.u32 $0x7F, s3;
	s8 =	sadd.s32 $0x20, s3;
	s9 =	sadd.s32 $0x30, s3  }
0x207: {  	s10 =	sshll.u32 s3, $0x2;
	s3 =	sadd.s32 $0x10, s3;
	s11 =	sand.u32 $0x7F, s9  }
0x208: {  	s12 =	sand.u32 $0x7F, s8;
	s8 =	sshll.u32 s8, $0x2;
	s9 =	sshll.u32 s9, $0x2  }
0x209: {  	s10 =	sand.u32 $0xFFFFFE00, s10;
	s7 =	sshll.u32 s7, $0x2;
	s13 =	sand.u32 $0x7F, s3  }
0x20a: {  	s3 =	sshll.u32 s3, $0x2;
	s9 =	sand.u32 $0xFFFFFE00, s9;
	s11 =	sshll.u32 s11, $0x2  }
0x20b: {  	s7 =	sor.u32 s7, s10;
	s8 =	sand.u32 $0xFFFFFE00, s8;
	s10 =	sshll.u32 s12, $0x2  }
0x20c: {  	s3 =	sand.u32 $0xFFFFFE00, s3;
	s12 =	sshll.u32 s13, $0x2;
	s9 =	sor.u32 s11, s9  }
0x20d: {  	s7 =	sshra.s32 s7, $0x2;
	s3 =	sor.u32 s12, s3;
	s8 =	sor.u32 s10, s8  }
0x20e: {  	s7 =	sadd.s32 s31, s7;
	s3 =	sshra.s32 s3, $0x2;
	s8 =	sshra.s32 s8, $0x2  }
0x20f: {  	s3 =	sadd.s32 s31, s3;
	s8 =	sadd.s32 s31, s8;
	s10 =	spop (v2sf)  }
0x210: {  	s11 =	sand.u32 $0x7F, s10;
	s12 =	sadd.s32 $0x20, s10;
	s13 =	sadd.s32 $0x30, s10  }
0x211: {  	s14 =	sshll.u32 s10, $0x2;
	s10 =	sadd.s32 $0x10, s10;
	s15 =	sand.u32 $0x7F, s13  }
0x212: {  	s14 =	sand.u32 $0xFFFFFE00, s14;
	s16 =	sand.u32 $0x7F, s12;
	s12 =	sshll.u32 s12, $0x2  }
0x213: {  	s11 =	sshll.u32 s11, $0x2;
	s25 =	sand.u32 $0x7F, s10;
	s10 =	sshll.u32 s10, $0x2  }
0x214: {  	s11 =	sor.u32 s11, s14;
	s10 =	sand.u32 $0xFFFFFE00, s10;
	s14 =	sshll.u32 s25, $0x2  }
0x215: {  	s10 =	sor.u32 s14, s10;
	v1 =	vld [tilespmem:s7+$0x1500];
	s7 =	sshra.s32 s11, $0x2;
	s11 =	sand.u32 $0xFFFFFE00, s12  }
0x216: {  	s7 =	sadd.s32 s31, s7;
	v2 =	vld [tilespmem:s3+$0x1500];
	s3 =	sshra.s32 s10, $0x2;
	s10 =	sshll.u32 s16, $0x2  }
0x217: {  	v3 =	vld [tilespmem:s7+$0x9500];
	s3 =	sadd.s32 s31, s3;
	s7 =	sor.u32 s10, s11;
	s10 =	sshll.u32 s13, $0x2  }
0x218: {  	v4 =	vld [tilespmem:s3+$0x9500];
	s3 =	sshra.s32 s7, $0x2;
	s7 =	sand.u32 $0xFFFFFE00, s10;
	s10 =	sshll.u32 s15, $0x2  }
0x219: {  	v5 =	vld [tilespmem:s8+$0x1500];
	s3 =	sadd.s32 s31, s3;
	s8 =	sshra.s32 s9, $0x2;
	s7 =	sor.u32 s10, s7  }
0x21a: {  	v6 =	vld [tilespmem:s3+$0x9500];
	s3 =	sadd.s32 s31, s8;
	s7 =	sshra.s32 s7, $0x2  }
0x21b: {  	v7 =	vld [tilespmem:s3+$0x1500];
	s3 =	sadd.s32 s31, s7  }
0x21c: {  	v8 =	vld [tilespmem:s3+$0x9500]  }
0x21d: {  	v1 =	vmul.f32 v3, v1;
	v2 =	vmul.f32 v4, v2;
	_ =	sdelay $0x1  }
0x21e: {  	v1 =	vadd.f32 v2, v1;
	v2 =	vmul.f32 v6, v5;
	_ =	sdelay $0x1  }
0x21f: {  	v1 =	vadd.f32 v2, v1;
	v2 =	vmul.f32 v8, v7;
	_ =	sdelay $0x1  }
0x220: {  	v1 =	vadd.f32 v2, v1;
	_ =	sdelay $0x1  }
0x221: {  	(xrf2) =	vadd.scan.msk.f32 $0xffff, v1;
	_ =	sdelay $0x9  }
0x222: {  	s0 =	sadd.s32 $0x1, s0;
	v1, _, _ =	vpop (xrf2)  }
0x223: {  	s20 =	sadd.s32 $0x1, s20;
	[tilespmem:s0+$0x0] =	vst.msk vm0, v1  }
0x224: {  	v1 =	vld [tilespmem:s20+$0x0];
	_ =	sdelay $0x4  }
0x225: {  	(v2sf) =	vpush v1, $0x0;
	_ =	sdelay $0x2  }
.Ltmp5:
0x226: {  	(pc) =	sbr.rel @p0 .LBB2_12-.Ltmp5, $3  }
0x227: {  	s23 =	sadd.s32 $0x1, s23  }
0x228: {  	v1 =	vld [tilespmem:s23+$0x0];
	_ =	sdelay $0x1  }
0x229: {  	s29 =	sadd.s32 $0x200, s29  }
0x22a: {  	_ =	sdelay $0x1  }
0x22b: {  	(v2sf) =	vpush v1, $0x0;
	_ =	sdelay $0x4  }
0x22c: {  	s20 =	sshra.s32 s26, $0x2;
	s3 =	spop (v2sf)  }
0x22d: {  	s7 =	sand.u32 $0x7F, s3;
	s8 =	sadd.s32 $0x20, s3;
	s9 =	sadd.s32 $0x30, s3  }
0x22e: {  	s10 =	sshll.u32 s3, $0x2;
	s3 =	sadd.s32 $0x10, s3;
	s11 =	sand.u32 $0x7F, s9  }
0x22f: {  	s12 =	sand.u32 $0x7F, s8;
	s8 =	sshll.u32 s8, $0x2;
	s9 =	sshll.u32 s9, $0x2  }
0x230: {  	s10 =	sand.u32 $0xFFFFFE00, s10;
	s7 =	sshll.u32 s7, $0x2;
	s13 =	sand.u32 $0x7F, s3  }
0x231: {  	s3 =	sshll.u32 s3, $0x2;
	s9 =	sand.u32 $0xFFFFFE00, s9;
	s11 =	sshll.u32 s11, $0x2  }
0x232: {  	s7 =	sor.u32 s7, s10;
	s8 =	sand.u32 $0xFFFFFE00, s8;
	s15 =	sshll.u32 s12, $0x2  }
0x233: {  	s3 =	sand.u32 $0xFFFFFE00, s3;
	s16 =	sshll.u32 s13, $0x2;
	s9 =	sor.u32 s11, s9  }
0x234: {  	s7 =	sshra.s32 s7, $0x2;
	s3 =	sor.u32 s16, s3;
	s8 =	sor.u32 s15, s8  }
0x235: {  	s7 =	sadd.s32 s20, s7;
	s3 =	sshra.s32 s3, $0x2;
	s8 =	sshra.s32 s8, $0x2  }
0x236: {  	s3 =	sadd.s32 s20, s3;
	s8 =	sadd.s32 s20, s8;
	s23 =	spop (v2sf)  }
0x237: {  	s25 =	sand.u32 $0x7F, s23;
	s26 =	sadd.s32 $0x20, s23;
	s13 =	sadd.s32 $0x30, s23  }
0x238: {  	s14 =	sshll.u32 s23, $0x2;
	s10 =	sadd.s32 $0x10, s23;
	s15 =	sand.u32 $0x7F, s13  }
0x239: {  	s14 =	sand.u32 $0xFFFFFE00, s14;
	s16 =	sand.u32 $0x7F, s26;
	s12 =	sshll.u32 s26, $0x2  }
0x23a: {  	s11 =	sshll.u32 s25, $0x2;
	s23 =	sand.u32 $0x7F, s10;
	s10 =	sshll.u32 s10, $0x2  }
0x23b: {  	s11 =	sor.u32 s11, s14;
	s10 =	sand.u32 $0xFFFFFE00, s10;
	s31 =	sshll.u32 s23, $0x2  }
0x23c: {  	v1 =	vld [tilespmem:s7+$0x1500];
	s25 =	sand.u32 $0xFFFFFE00, s12;
	s23 =	sshra.s32 s11, $0x2;
	s10 =	sor.u32 s31, s10  }
0x23d: {  	v2 =	vld [tilespmem:s3+$0x1500];
	s31 =	sshll.u32 s16, $0x2;
	s7 =	sadd.s32 s20, s23;
	s26 =	sshra.s32 s10, $0x2  }
0x23e: {  	s12 =	sshll.u32 s13, $0x2;
	s11 =	sor.u32 s31, s25;
	v3 =	vld [tilespmem:s7+$0x9500];
	s3 =	sadd.s32 s20, s26  }
0x23f: {  	s15 =	sshll.u32 s15, $0x2;
	s14 =	sand.u32 $0xFFFFFE00, s12;
	s13 =	sshra.s32 s11, $0x2;
	v4 =	vld [tilespmem:s3+$0x9500]  }
0x240: {  	v5 =	vld [tilespmem:s8+$0x1500];
	s16 =	sshra.s32 s9, $0x2;
	s7 =	sor.u32 s15, s14;
	s3 =	sadd.s32 s20, s13  }
0x241: {  	s23 =	sadd.s32 s20, s16;
	s7 =	sshra.s32 s7, $0x2;
	v6 =	vld [tilespmem:s3+$0x9500]  }
0x242: {  	v7 =	vld [tilespmem:s23+$0x1500];
	s25 =	sadd.s32 s20, s7  }
0x243: {  	v8 =	vld [tilespmem:s25+$0x9500]  }
0x244: {  	v1 =	vmul.f32 v3, v1;
	v2 =	vmul.f32 v4, v2;
	_ =	sdelay $0x1  }
0x245: {  	v1 =	vadd.f32 v2, v1;
	v2 =	vmul.f32 v6, v5;
	_ =	sdelay $0x1  }
0x246: {  	v1 =	vadd.f32 v2, v1;
	v2 =	vmul.f32 v8, v7;
	_ =	sdelay $0x1  }
0x247: {  	v1 =	vadd.f32 v2, v1;
	_ =	sdelay $0x1  }
0x248: {  	(xrf2) =	vadd.scan.msk.f32 $0xffff, v1;
	_ =	sdelay $0x9  }
0x249: {  	s0 =	sadd.s32 $0x1, s0;
	v1, _, _ =	vpop (xrf2)  }
0x24a: {  	[tilespmem:s0+$0x0] =	vst.msk vm0, v1  }
0x24b: {  	_ =	swait.ge [sflag:s28], $0x4000  }
0x24c: {  	[sflag:s28] =	ssyncset.done $0x0  }
0x24d: {  	[sflag:s28] =	ssyncadd.s32 $0xFFFFC000  }
0x24e: {  	_ =	swait.ge [sflag:s28], $0x4000  }
0x24f: {  	[sflag:s28] =	ssyncset.done $0x0  }
0x250: {  	s26 =	simm.s32 $0x1200;
	[sflag:s28] =	ssyncadd.s32 $0xFFFFC000  }
0x251: {  	v1 =	vld [tilespmem:s26+$0x0]  }
0x252: {  	s20 =	simm.s32 $0x1400  }
0x253: {  	s31 =	simm.s32 $0x0;
	v2 =	vld [tilespmem:s20+$0x0]  }
0x254: {  	v3 =	vmov s31  }
0x255: {  	v3 =	vshll.u32 v3, $0x7  }
0x256: {  	v3 =	vor.u32 v0, v3;
	v62 =	vand.u32 $0xFFFFFF80, v1  }
0x257: {  	v1 =	vand.u32 $0x7F, v1;
	v4 =	vadd.s32 v3, v62  }
0x258: {  	v63 =	vand.u32 $0xFFFFFF80, v2;
	v1 =	vor.u32 v1, v4  }
0x259: {  	v2 =	vand.u32 $0x7F, v2;
	v3 =	vadd.s32 v3, v63  }
0x25a: {  	v2 =	vor.u32 v2, v3  }
0x25b: {  	s0 =	simm.s32 $0x19600  }
0x25c: {  	v3 =	vld [tilespmem:s0+$0x0]  }
0x25d: {  	v1 =	vld.idx.msk [tilespmem:v1+s19+$0x0], $0xffff;
	_ =	sdelay $0x1  }
0x25e: {  	v2 =	vld.idx.msk [tilespmem:v2+s21+$0x0], $0xffff;
	_ =	sdelay $0x2  }
0x25f: {  	v1 =	vadd.f32 v3, v1;
	_ =	sdelay $0x1  }
0x260: {  	v1 =	vadd.f32 v1, v2;
	_ =	sdelay $0x1  }
0x261: {  	v1 =	vadd.f32 $3.500000000e+00, v1;
	_ =	sdelay $0x1  }
0x262: {  	s26 =	simm.s32 $0x1210;
	[tilespmem:s0+$0x0] =	vst v1  }
0x263: {  	s29 =	simm.s32 $0x20;
	s23 =	simm.s32 $0x10;
	v1 =	vld [tilespmem:s26+$0x0]  }
.LBB2_14:
0x264: {  	p0 =	sne.s32 s29, $0x70;
	s20 =	sadd.s32 $0x10, s20  }
0x265: {  	v2 =	vld [tilespmem:s20+$0x0]  }
0x266: {  	v3 =	vmov s23;
	s23 =	smov.u32 s29  }
0x267: {  	v3 =	vshll.u32 v3, $0x7  }
0x268: {  	v3 =	vor.u32 v0, v3;
	v4 =	vand.u32 $0xFFFFFF80, v1  }
0x269: {  	v1 =	vand.u32 $0x7F, v1;
	v4 =	vadd.s32 v3, v4  }
0x26a: {  	v1 =	vor.u32 v1, v4;
	v4 =	vand.u32 $0xFFFFFF80, v2  }
0x26b: {  	v2 =	vand.u32 $0x7F, v2;
	v3 =	vadd.s32 v3, v4  }
0x26c: {  	v2 =	vor.u32 v2, v3;
	_ =	sdelay $0x2  }
0x26d: {  	s0 =	sadd.s32 $0x10, s0;
	v1 =	vld.idx.msk [tilespmem:v1+s19+$0x0], $0xffff  }
0x26e: {  	v3 =	vld [tilespmem:s0+$0x0]  }
0x26f: {  	v2 =	vld.idx.msk [tilespmem:v2+s21+$0x0], $0xffff;
	_ =	sdelay $0x3  }
0x270: {  	v1 =	vadd.f32 v3, v1;
	_ =	sdelay $0x1  }
0x271: {  	v1 =	vadd.f32 v1, v2  }
.Ltmp6:
0x272: {  	(pc) =	sbr.rel @p0 .LBB2_14-.Ltmp6, $3  }
0x273: {  	v1 =	vadd.f32 $3.500000000e+00, v1;
	_ =	sdelay $0x1  }
0x274: {  	s26 =	sadd.s32 $0x10, s26;
	[tilespmem:s0+$0x0] =	vst v1  }
0x275: {  	s29 =	sadd.s32 $0x10, s29;
	v1 =	vld [tilespmem:s26+$0x0]  }
0x276: {  	s3 =	sadd.s32 $0x10, s20  }
0x277: {  	v2 =	vld [tilespmem:s3+$0x0]  }
0x278: {  	v3 =	vmov s23  }
0x279: {  	v3 =	vshll.u32 v3, $0x7  }
0x27a: {  	v3 =	vor.u32 v0, v3;
	v4 =	vand.u32 $0xFFFFFF80, v1  }
0x27b: {  	v1 =	vand.u32 $0x7F, v1;
	v4 =	vadd.s32 v3, v4  }
0x27c: {  	v1 =	vor.u32 v1, v4;
	v62 =	vand.u32 $0xFFFFFF80, v2  }
0x27d: {  	v2 =	vand.u32 $0x7F, v2;
	v3 =	vadd.s32 v3, v62  }
0x27e: {  	v2 =	vor.u32 v2, v3  }
0x27f: {  	s0 =	sadd.s32 $0x10, s0  }
0x280: {  	v3 =	vld [tilespmem:s0+$0x0]  }
0x281: {  	v1 =	vld.idx.msk [tilespmem:v1+s19+$0x0], $0xffff;
	_ =	sdelay $0x1  }
0x282: {  	v2 =	vld.idx.msk [tilespmem:v2+s21+$0x0], $0xffff;
	_ =	sdelay $0x2  }
0x283: {  	v1 =	vadd.f32 v3, v1;
	_ =	sdelay $0x1  }
0x284: {  	v1 =	vadd.f32 v1, v2;
	_ =	sdelay $0x1  }
0x285: {  	v1 =	vadd.f32 $3.500000000e+00, v1;
	_ =	sdelay $0x1  }
0x286: {  	s7 =	simm.s32 $0x980;
	[tilespmem:s0+$0x0] =	vst v1  }
0x287: {  	[tilespmem:s19], [sflag:$0x4] =	stream.indirect.gather [hbm4b:s1+s18], $0x80, s7, s18, $0xb8;
	[tilespmem:$0x19780] =	vst v63  }
0x288: {  	s8 =	simm.s32 $0xB80  }
0x289: {  	[tilespmem:s21], [sflag:$0x4] =	stream.indirect.gather [hbm4b:s6+s18], $0x80, s8, s18, $0xb8;
	[tilespmem:$0x19780] =	vst v63  }
0x28a: {  	_ =	swait.ge [sflag:s17], $0x4000  }
0x28b: {  	[sflag:s17] =	ssyncset.done $0x0  }
0x28c: {  	[sflag:s17] =	ssyncadd.s32 $0xFFFFC000  }
0x28d: {  	_ =	swait.ge [sflag:s17], $0x4000  }
0x28e: {  	[sflag:s17] =	ssyncset.done $0x0  }
0x28f: {  	s9 =	simm.s32 $0xD80;
	[sflag:s17] =	ssyncadd.s32 $0xFFFFC000  }
0x290: {  	v1 =	vld [tilespmem:s9+$0x0];
	_ =	sdelay $0x4  }
0x291: {  	(v2sf) =	vpush v1, $0x0;
	_ =	sdelay $0x3  }
0x292: {  	s10 =	simm.s32 $0x1000  }
0x293: {  	v1 =	vld [tilespmem:s10+$0x0];
	_ =	sdelay $0x4  }
0x294: {  	(v2sf) =	vpush v1, $0x0;
	_ =	sdelay $0x4  }
0x295: {  	s11 =	spop (v2sf)  }
0x296: {  	s12 =	sand.u32 $0x7F, s11;
	s7 =	sadd.s32 $0x20, s11;
	s8 =	sadd.s32 $0x30, s11  }
0x297: {  	s9 =	sshll.u32 s11, $0x2;
	s0 =	sadd.s32 $0x10, s11;
	s10 =	sand.u32 $0x7F, s8  }
0x298: {  	s11 =	sand.u32 $0x7F, s7;
	s7 =	sshll.u32 s7, $0x2;
	s8 =	sshll.u32 s8, $0x2  }
0x299: {  	s9 =	sand.u32 $0xFFFFFE00, s9;
	s3 =	sshll.u32 s12, $0x2;
	s12 =	sand.u32 $0x7F, s0  }
0x29a: {  	s0 =	sshll.u32 s0, $0x2;
	s8 =	sand.u32 $0xFFFFFE00, s8;
	s10 =	sshll.u32 s10, $0x2  }
0x29b: {  	s3 =	sor.u32 s3, s9;
	s7 =	sand.u32 $0xFFFFFE00, s7;
	s13 =	sshll.u32 s11, $0x2  }
0x29c: {  	s0 =	sand.u32 $0xFFFFFE00, s0;
	s14 =	sshll.u32 s12, $0x2;
	s8 =	sor.u32 s10, s8  }
0x29d: {  	s3 =	sshra.s32 s3, $0x2;
	s0 =	sor.u32 s14, s0;
	s7 =	sor.u32 s13, s7  }
0x29e: {  	s3 =	sadd.s32 $0x0, s3;
	s0 =	sshra.s32 s0, $0x2;
	s7 =	sshra.s32 s7, $0x2  }
0x29f: {  	s15 =	spop (v2sf);
	s0 =	sadd.s32 $0x0, s0;
	s7 =	sadd.s32 $0x0, s7  }
0x2a0: {  	s16 =	sand.u32 $0x7F, s15;
	s20 =	sadd.s32 $0x20, s15;
	s23 =	sadd.s32 $0x30, s15  }
0x2a1: {  	s13 =	sshll.u32 s15, $0x2;
	s9 =	sadd.s32 $0x10, s15;
	s14 =	sand.u32 $0x7F, s23  }
0x2a2: {  	s13 =	sand.u32 $0xFFFFFE00, s13;
	s15 =	sand.u32 $0x7F, s20;
	s11 =	sshll.u32 s20, $0x2  }
0x2a3: {  	s10 =	sshll.u32 s16, $0x2;
	s16 =	sand.u32 $0x7F, s9;
	s9 =	sshll.u32 s9, $0x2  }
0x2a4: {  	s10 =	sor.u32 s10, s13;
	s9 =	sand.u32 $0xFFFFFE00, s9;
	s25 =	sshll.u32 s16, $0x2  }
0x2a5: {  	v1 =	vld [tilespmem:s3+$0x5500];
	s31 =	sand.u32 $0xFFFFFE00, s11;
	s26 =	sshra.s32 s10, $0x2;
	s9 =	sor.u32 s25, s9  }
0x2a6: {  	v2 =	vld [tilespmem:s0+$0x5500];
	s11 =	sshll.u32 s15, $0x2;
	s3 =	sadd.s32 $0x0, s26;
	s9 =	sshra.s32 s9, $0x2  }
0x2a7: {  	s15 =	sshll.u32 s23, $0x2;
	s13 =	sor.u32 s11, s31;
	v3 =	vld [tilespmem:s3+$0xD500];
	s0 =	sadd.s32 $0x0, s9  }
0x2a8: {  	s23 =	sshll.u32 s14, $0x2;
	s20 =	sand.u32 $0xFFFFFE00, s15;
	s16 =	sshra.s32 s13, $0x2;
	v63 =	vld [tilespmem:s0+$0xD500]  }
0x2a9: {  	v5 =	vld [tilespmem:s7+$0x5500];
	s25 =	sshra.s32 s8, $0x2;
	s3 =	sor.u32 s23, s20;
	s0 =	sadd.s32 $0x0, s16  }
0x2aa: {  	s26 =	sadd.s32 $0x0, s25;
	s3 =	sshra.s32 s3, $0x2;
	v6 =	vld [tilespmem:s0+$0xD500]  }
0x2ab: {  	v7 =	vld [tilespmem:s26+$0x5500];
	s31 =	sadd.s32 $0x0, s3  }
0x2ac: {  	v8 =	vld [tilespmem:s31+$0xD500]  }
0x2ad: {  	v1 =	vmul.f32 v3, v1;
	v2 =	vmul.f32 v63, v2;
	_ =	sdelay $0x1  }
0x2ae: {  	v1 =	vadd.f32 v2, v1;
	v2 =	vmul.f32 v6, v5;
	_ =	sdelay $0x1  }
0x2af: {  	v1 =	vadd.f32 v2, v1;
	v2 =	vmul.f32 v8, v7;
	_ =	sdelay $0x1  }
0x2b0: {  	v1 =	vadd.f32 v2, v1;
	_ =	sdelay $0x1  }
0x2b1: {  	(xrf2) =	vadd.scan.msk.f32 $0xffff, v1;
	_ =	sdelay $0x9  }
0x2b2: {  	s0 =	simm.s32 $0x19680;
	v1, _, _ =	vpop (xrf2)  }
0x2b3: {  	s20 =	simm.s32 $0xD81;
	[tilespmem:s0+$0x0] =	vst.msk vm0, v1  }
0x2b4: {  	v1 =	vld [tilespmem:s20+$0x0];
	_ =	sdelay $0x4  }
0x2b5: {  	(v2sf) =	vpush v1, $0x0;
	_ =	sdelay $0x3  }
0x2b6: {  	s23 =	simm.s32 $0x1001  }
0x2b7: {  	v1 =	vld [tilespmem:s23+$0x0];
	_ =	sdelay $0x1  }
0x2b8: {  	s29 =	simm.s32 $0x400;
	s26 =	simm.s32 $0x200  }
.LBB2_16:
0x2b9: {  	p0 =	sne.s32 s29, $0xFE00;
	_ =	sdelay $0x1  }
0x2ba: {  	(v2sf) =	vpush v1, $0x0;
	_ =	sdelay $0x4  }
0x2bb: {  	s31 =	sshra.s32 s26, $0x2;
	s26 =	smov.u32 s29;
	s3 =	spop (v2sf)  }
0x2bc: {  	s7 =	sand.u32 $0x7F, s3;
	s8 =	sadd.s32 $0x20, s3;
	s9 =	sadd.s32 $0x30, s3  }
0x2bd: {  	s10 =	sshll.u32 s3, $0x2;
	s3 =	sadd.s32 $0x10, s3;
	s11 =	sand.u32 $0x7F, s9  }
0x2be: {  	s12 =	sand.u32 $0x7F, s8;
	s8 =	sshll.u32 s8, $0x2;
	s9 =	sshll.u32 s9, $0x2  }
0x2bf: {  	s10 =	sand.u32 $0xFFFFFE00, s10;
	s7 =	sshll.u32 s7, $0x2;
	s13 =	sand.u32 $0x7F, s3  }
0x2c0: {  	s3 =	sshll.u32 s3, $0x2;
	s9 =	sand.u32 $0xFFFFFE00, s9;
	s11 =	sshll.u32 s11, $0x2  }
0x2c1: {  	s7 =	sor.u32 s7, s10;
	s8 =	sand.u32 $0xFFFFFE00, s8;
	s10 =	sshll.u32 s12, $0x2  }
0x2c2: {  	s3 =	sand.u32 $0xFFFFFE00, s3;
	s12 =	sshll.u32 s13, $0x2;
	s9 =	sor.u32 s11, s9  }
0x2c3: {  	s7 =	sshra.s32 s7, $0x2;
	s3 =	sor.u32 s12, s3;
	s8 =	sor.u32 s10, s8  }
0x2c4: {  	s7 =	sadd.s32 s31, s7;
	s3 =	sshra.s32 s3, $0x2;
	s8 =	sshra.s32 s8, $0x2  }
0x2c5: {  	s3 =	sadd.s32 s31, s3;
	s8 =	sadd.s32 s31, s8;
	s10 =	spop (v2sf)  }
0x2c6: {  	s11 =	sand.u32 $0x7F, s10;
	s12 =	sadd.s32 $0x20, s10;
	s13 =	sadd.s32 $0x30, s10  }
0x2c7: {  	s14 =	sshll.u32 s10, $0x2;
	s10 =	sadd.s32 $0x10, s10;
	s15 =	sand.u32 $0x7F, s13  }
0x2c8: {  	s14 =	sand.u32 $0xFFFFFE00, s14;
	s16 =	sand.u32 $0x7F, s12;
	s12 =	sshll.u32 s12, $0x2  }
0x2c9: {  	s11 =	sshll.u32 s11, $0x2;
	s25 =	sand.u32 $0x7F, s10;
	s10 =	sshll.u32 s10, $0x2  }
0x2ca: {  	s11 =	sor.u32 s11, s14;
	s10 =	sand.u32 $0xFFFFFE00, s10;
	s14 =	sshll.u32 s25, $0x2  }
0x2cb: {  	s10 =	sor.u32 s14, s10;
	v1 =	vld [tilespmem:s7+$0x5500];
	s7 =	sshra.s32 s11, $0x2;
	s11 =	sand.u32 $0xFFFFFE00, s12  }
0x2cc: {  	s7 =	sadd.s32 s31, s7;
	v2 =	vld [tilespmem:s3+$0x5500];
	s3 =	sshra.s32 s10, $0x2;
	s10 =	sshll.u32 s16, $0x2  }
0x2cd: {  	v3 =	vld [tilespmem:s7+$0xD500];
	s3 =	sadd.s32 s31, s3;
	s7 =	sor.u32 s10, s11;
	s10 =	sshll.u32 s13, $0x2  }
0x2ce: {  	v4 =	vld [tilespmem:s3+$0xD500];
	s3 =	sshra.s32 s7, $0x2;
	s7 =	sand.u32 $0xFFFFFE00, s10;
	s10 =	sshll.u32 s15, $0x2  }
0x2cf: {  	v5 =	vld [tilespmem:s8+$0x5500];
	s3 =	sadd.s32 s31, s3;
	s8 =	sshra.s32 s9, $0x2;
	s7 =	sor.u32 s10, s7  }
0x2d0: {  	v6 =	vld [tilespmem:s3+$0xD500];
	s3 =	sadd.s32 s31, s8;
	s7 =	sshra.s32 s7, $0x2  }
0x2d1: {  	v7 =	vld [tilespmem:s3+$0x5500];
	s3 =	sadd.s32 s31, s7  }
0x2d2: {  	v8 =	vld [tilespmem:s3+$0xD500]  }
0x2d3: {  	v1 =	vmul.f32 v3, v1;
	v2 =	vmul.f32 v4, v2;
	_ =	sdelay $0x1  }
0x2d4: {  	v1 =	vadd.f32 v2, v1;
	v2 =	vmul.f32 v6, v5;
	_ =	sdelay $0x1  }
0x2d5: {  	v1 =	vadd.f32 v2, v1;
	v2 =	vmul.f32 v8, v7;
	_ =	sdelay $0x1  }
0x2d6: {  	v1 =	vadd.f32 v2, v1;
	_ =	sdelay $0x1  }
0x2d7: {  	(xrf2) =	vadd.scan.msk.f32 $0xffff, v1;
	_ =	sdelay $0x9  }
0x2d8: {  	s0 =	sadd.s32 $0x1, s0;
	v1, _, _ =	vpop (xrf2)  }
0x2d9: {  	s20 =	sadd.s32 $0x1, s20;
	[tilespmem:s0+$0x0] =	vst.msk vm0, v1  }
0x2da: {  	v1 =	vld [tilespmem:s20+$0x0];
	_ =	sdelay $0x4  }
0x2db: {  	(v2sf) =	vpush v1, $0x0;
	_ =	sdelay $0x2  }
.Ltmp7:
0x2dc: {  	(pc) =	sbr.rel @p0 .LBB2_16-.Ltmp7, $3  }
0x2dd: {  	s23 =	sadd.s32 $0x1, s23  }
0x2de: {  	v1 =	vld [tilespmem:s23+$0x0];
	_ =	sdelay $0x1  }
0x2df: {  	s29 =	sadd.s32 $0x200, s29  }
0x2e0: {  	_ =	sdelay $0x1  }
0x2e1: {  	(v2sf) =	vpush v1, $0x0;
	_ =	sdelay $0x4  }
0x2e2: {  	s20 =	sshra.s32 s26, $0x2;
	s3 =	spop (v2sf)  }
0x2e3: {  	s7 =	sand.u32 $0x7F, s3;
	s8 =	sadd.s32 $0x20, s3;
	s9 =	sadd.s32 $0x30, s3  }
0x2e4: {  	s10 =	sshll.u32 s3, $0x2;
	s3 =	sadd.s32 $0x10, s3;
	s11 =	sand.u32 $0x7F, s9  }
0x2e5: {  	s12 =	sand.u32 $0x7F, s8;
	s8 =	sshll.u32 s8, $0x2;
	s9 =	sshll.u32 s9, $0x2  }
0x2e6: {  	s10 =	sand.u32 $0xFFFFFE00, s10;
	s7 =	sshll.u32 s7, $0x2;
	s13 =	sand.u32 $0x7F, s3  }
0x2e7: {  	s3 =	sshll.u32 s3, $0x2;
	s9 =	sand.u32 $0xFFFFFE00, s9;
	s11 =	sshll.u32 s11, $0x2  }
0x2e8: {  	s7 =	sor.u32 s7, s10;
	s8 =	sand.u32 $0xFFFFFE00, s8;
	s15 =	sshll.u32 s12, $0x2  }
0x2e9: {  	s3 =	sand.u32 $0xFFFFFE00, s3;
	s16 =	sshll.u32 s13, $0x2;
	s9 =	sor.u32 s11, s9  }
0x2ea: {  	s7 =	sshra.s32 s7, $0x2;
	s3 =	sor.u32 s16, s3;
	s8 =	sor.u32 s15, s8  }
0x2eb: {  	s7 =	sadd.s32 s20, s7;
	s3 =	sshra.s32 s3, $0x2;
	s8 =	sshra.s32 s8, $0x2  }
0x2ec: {  	s3 =	sadd.s32 s20, s3;
	s8 =	sadd.s32 s20, s8;
	s23 =	spop (v2sf)  }
0x2ed: {  	s25 =	sand.u32 $0x7F, s23;
	s26 =	sadd.s32 $0x20, s23;
	s13 =	sadd.s32 $0x30, s23  }
0x2ee: {  	s14 =	sshll.u32 s23, $0x2;
	s10 =	sadd.s32 $0x10, s23;
	s15 =	sand.u32 $0x7F, s13  }
0x2ef: {  	s14 =	sand.u32 $0xFFFFFE00, s14;
	s16 =	sand.u32 $0x7F, s26;
	s12 =	sshll.u32 s26, $0x2  }
0x2f0: {  	s11 =	sshll.u32 s25, $0x2;
	s23 =	sand.u32 $0x7F, s10;
	s10 =	sshll.u32 s10, $0x2  }
0x2f1: {  	s11 =	sor.u32 s11, s14;
	s10 =	sand.u32 $0xFFFFFE00, s10;
	s31 =	sshll.u32 s23, $0x2  }
0x2f2: {  	v1 =	vld [tilespmem:s7+$0x5500];
	s25 =	sand.u32 $0xFFFFFE00, s12;
	s23 =	sshra.s32 s11, $0x2;
	s10 =	sor.u32 s31, s10  }
0x2f3: {  	v2 =	vld [tilespmem:s3+$0x5500];
	s31 =	sshll.u32 s16, $0x2;
	s7 =	sadd.s32 s20, s23;
	s26 =	sshra.s32 s10, $0x2  }
0x2f4: {  	s12 =	sshll.u32 s13, $0x2;
	s11 =	sor.u32 s31, s25;
	v3 =	vld [tilespmem:s7+$0xD500];
	s3 =	sadd.s32 s20, s26  }
0x2f5: {  	s15 =	sshll.u32 s15, $0x2;
	s14 =	sand.u32 $0xFFFFFE00, s12;
	s13 =	sshra.s32 s11, $0x2;
	v4 =	vld [tilespmem:s3+$0xD500]  }
0x2f6: {  	v5 =	vld [tilespmem:s8+$0x5500];
	s16 =	sshra.s32 s9, $0x2;
	s7 =	sor.u32 s15, s14;
	s3 =	sadd.s32 s20, s13  }
0x2f7: {  	s23 =	sadd.s32 s20, s16;
	s7 =	sshra.s32 s7, $0x2;
	v6 =	vld [tilespmem:s3+$0xD500]  }
0x2f8: {  	v7 =	vld [tilespmem:s23+$0x5500];
	s25 =	sadd.s32 s20, s7  }
0x2f9: {  	v8 =	vld [tilespmem:s25+$0xD500]  }
0x2fa: {  	v1 =	vmul.f32 v3, v1;
	v2 =	vmul.f32 v4, v2;
	_ =	sdelay $0x1  }
0x2fb: {  	v1 =	vadd.f32 v2, v1;
	v2 =	vmul.f32 v6, v5;
	_ =	sdelay $0x1  }
0x2fc: {  	v1 =	vadd.f32 v2, v1;
	v2 =	vmul.f32 v8, v7;
	_ =	sdelay $0x1  }
0x2fd: {  	v1 =	vadd.f32 v2, v1;
	_ =	sdelay $0x1  }
0x2fe: {  	(xrf2) =	vadd.scan.msk.f32 $0xffff, v1;
	_ =	sdelay $0x9  }
0x2ff: {  	s0 =	sadd.s32 $0x1, s0;
	v1, _, _ =	vpop (xrf2)  }
0x300: {  	[tilespmem:s0+$0x0] =	vst.msk vm0, v1  }
0x301: {  	_ =	swait.ge [sflag:s28], $0x4000  }
0x302: {  	[sflag:s28] =	ssyncset.done $0x0  }
0x303: {  	[sflag:s28] =	ssyncadd.s32 $0xFFFFC000  }
0x304: {  	_ =	swait.ge [sflag:s28], $0x4000  }
0x305: {  	[sflag:s28] =	ssyncset.done $0x0  }
0x306: {  	s26 =	simm.s32 $0x1280;
	[sflag:s28] =	ssyncadd.s32 $0xFFFFC000  }
0x307: {  	v1 =	vld [tilespmem:s26+$0x0]  }
0x308: {  	s20 =	simm.s32 $0x1480  }
0x309: {  	s31 =	simm.s32 $0x0;
	v2 =	vld [tilespmem:s20+$0x0]  }
0x30a: {  	v3 =	vmov s31  }
0x30b: {  	v3 =	vshll.u32 v3, $0x7  }
0x30c: {  	v3 =	vor.u32 v0, v3;
	v62 =	vand.u32 $0xFFFFFF80, v1  }
0x30d: {  	v1 =	vand.u32 $0x7F, v1;
	v4 =	vadd.s32 v3, v62  }
0x30e: {  	v63 =	vand.u32 $0xFFFFFF80, v2;
	v1 =	vor.u32 v1, v4  }
0x30f: {  	v2 =	vand.u32 $0x7F, v2;
	v3 =	vadd.s32 v3, v63  }
0x310: {  	v2 =	vor.u32 v2, v3  }
0x311: {  	s0 =	simm.s32 $0x19680  }
0x312: {  	v3 =	vld [tilespmem:s0+$0x0]  }
0x313: {  	v1 =	vld.idx.msk [tilespmem:v1+s19+$0x0], $0xffff;
	_ =	sdelay $0x1  }
0x314: {  	v2 =	vld.idx.msk [tilespmem:v2+s21+$0x0], $0xffff;
	_ =	sdelay $0x2  }
0x315: {  	v1 =	vadd.f32 v3, v1;
	_ =	sdelay $0x1  }
0x316: {  	v1 =	vadd.f32 v1, v2;
	_ =	sdelay $0x1  }
0x317: {  	v1 =	vadd.f32 $3.500000000e+00, v1;
	_ =	sdelay $0x1  }
0x318: {  	s26 =	simm.s32 $0x1290;
	[tilespmem:s0+$0x0] =	vst v1  }
0x319: {  	s29 =	simm.s32 $0x20;
	s23 =	simm.s32 $0x10;
	v1 =	vld [tilespmem:s26+$0x0]  }
.LBB2_18:
0x31a: {  	p0 =	sne.s32 s29, $0x70;
	s20 =	sadd.s32 $0x10, s20  }
0x31b: {  	v2 =	vld [tilespmem:s20+$0x0]  }
0x31c: {  	v3 =	vmov s23;
	s23 =	smov.u32 s29  }
0x31d: {  	v3 =	vshll.u32 v3, $0x7  }
0x31e: {  	v3 =	vor.u32 v0, v3;
	v4 =	vand.u32 $0xFFFFFF80, v1  }
0x31f: {  	v1 =	vand.u32 $0x7F, v1;
	v4 =	vadd.s32 v3, v4  }
0x320: {  	v1 =	vor.u32 v1, v4;
	v4 =	vand.u32 $0xFFFFFF80, v2  }
0x321: {  	v2 =	vand.u32 $0x7F, v2;
	v3 =	vadd.s32 v3, v4  }
0x322: {  	v2 =	vor.u32 v2, v3;
	_ =	sdelay $0x2  }
0x323: {  	s0 =	sadd.s32 $0x10, s0;
	v1 =	vld.idx.msk [tilespmem:v1+s19+$0x0], $0xffff  }
0x324: {  	v3 =	vld [tilespmem:s0+$0x0]  }
0x325: {  	v2 =	vld.idx.msk [tilespmem:v2+s21+$0x0], $0xffff;
	_ =	sdelay $0x3  }
0x326: {  	v1 =	vadd.f32 v3, v1;
	_ =	sdelay $0x1  }
0x327: {  	v1 =	vadd.f32 v1, v2  }
.Ltmp8:
0x328: {  	(pc) =	sbr.rel @p0 .LBB2_18-.Ltmp8, $3  }
0x329: {  	v1 =	vadd.f32 $3.500000000e+00, v1;
	_ =	sdelay $0x1  }
0x32a: {  	s26 =	sadd.s32 $0x10, s26;
	[tilespmem:s0+$0x0] =	vst v1  }
0x32b: {  	s29 =	sadd.s32 $0x10, s29;
	v1 =	vld [tilespmem:s26+$0x0]  }
0x32c: {  	s3 =	sadd.s32 $0x10, s20  }
0x32d: {  	v2 =	vld [tilespmem:s3+$0x0]  }
0x32e: {  	v3 =	vmov s23  }
0x32f: {  	v3 =	vshll.u32 v3, $0x7  }
0x330: {  	v3 =	vor.u32 v0, v3;
	v4 =	vand.u32 $0xFFFFFF80, v1  }
0x331: {  	v1 =	vand.u32 $0x7F, v1;
	v4 =	vadd.s32 v3, v4  }
0x332: {  	v1 =	vor.u32 v1, v4;
	v63 =	vand.u32 $0xFFFFFF80, v2  }
0x333: {  	v2 =	vand.u32 $0x7F, v2;
	v3 =	vadd.s32 v3, v63  }
0x334: {  	v2 =	vor.u32 v2, v3  }
0x335: {  	s0 =	sadd.s32 $0x10, s0  }
0x336: {  	v3 =	vld [tilespmem:s0+$0x0]  }
0x337: {  	v1 =	vld.idx.msk [tilespmem:v1+s19+$0x0], $0xffff;
	_ =	sdelay $0x1  }
0x338: {  	v2 =	vld.idx.msk [tilespmem:v2+s21+$0x0], $0xffff;
	_ =	sdelay $0x2  }
0x339: {  	v1 =	vadd.f32 v3, v1;
	_ =	sdelay $0x1  }
0x33a: {  	v1 =	vadd.f32 v1, v2;
	_ =	sdelay $0x1  }
0x33b: {  	v1 =	vadd.f32 $3.500000000e+00, v1;
	_ =	sdelay $0x1  }
0x33c: {  	s25 =	rddreg [dreg:$0xd];
	s26 =	simm.s32 $0x19500;
	s29 =	simm.s32 $0x5;
	[tilespmem:s0+$0x0] =	vst v1  }
0x33d: {  	[hbm4b:s25+s2] =	stream.linear.scatter [tilespmem:s26], [sflag:$0x5], $0x200, $0x38;
	[tilespmem:$0x19780] =	vst v63  }
0x33e: {  	_ =	swait.ge [sflag:s29], $0x200  }
0x33f: {  	s30 =	sadd.s32 $0x1, s30;
	s31 =	rddreg [dreg:$0xe]  }
0x340: {  	p0 =	sne.s32 s30, s31  }
.Ltmp9:
0x341: {  	_ = 	snop;
	(pc) =	sbr.rel @p0 .LBB2_1-.Ltmp9, $3  }
0x342: {  	_ =	sdelay $0x1  }
0x343: {  	[sflag:s29] =	ssyncset.done $0x0  }
0x344: {  	[sflag:s29] =	ssyncadd.s32 $0xFFFFFE00  }
0x345: {  	_ =	sfence.sel $0x180000  }
0x346: {  	[bflag:$0x0] =	sbarrier.arrive $0xFFFF  }
0x347: {  	_ =	strace $0x90000047  }
0x348: {  	s0 =	stileid.u32;
	[bflag:$0x2] =	sbarrier.arrive $0xFFFF  }
0x349: {  	p0 =	sne.s32 s0, $0x0;
	s0 =	rddreg [dreg:$0x4]  }
0x34a: {  	s0 =	sadd.s32 @!p0 $0x100000, s0  }
0x34b: {  	[sflag:s0] =	ssyncadd.tile.s32 @!p0 $0x1;
	_ =	shalt  }
.Lfunc_end2:
_tile_overlayer_lowered:
.L_overlay_start_2:
0x34c: {  	(tag) =	ssettag $0x2  }
0x34d: {  	s0 =	rddreg [dreg:$0x0];
	s2 =	stileid.u32  }
0x34e: {  	s1 =	rddreg [dreg:$0x1];
	p0 =	sne.s32 s2, $0x0  }
0x34f: {  	s3 =	rddreg [dreg:$0x2];
	[bflag:$0x3] =	sbarrier.arrive $0xFFFF;
	s2 =	simm.s32 @!p0 $0x1C05  }
0x350: {  	[timem:s3], [sflag:s2] =	dma.local @!p0 [hbm:s0], s1  }
0x351: {  	s0 =	simm.s32 @!p0 $0x5  }
0x352: {  	_ =	swait.ge @!p0 [sflag:s0], s1  }
0x353: {  	s1 =	ssub.s32 @!p0 $0x0, s1;
	[sflag:s0] =	ssyncset.done @!p0 $0x0  }
0x354: {  	[sflag:s0] =	ssyncadd.s32 @!p0 s1  }
0x355: {  	[bflag:$0x3] =	sbarrier.arrive $0xFFFF  }
0x356: {  	_ =	shalt  }

</sc_bundles>
